<compile_context>
chip_gen: v7x
topology: tpu7x:2x2x1
jax: 0.10.2.dev20260603
libtpu: 0.0.44.dev20260713+nightly
codegen_flags: <defaults>
</compile_context>

<pallas_src>
import functools

import jax
import jax.numpy as jnp
from jax import lax
from jax.experimental import pallas as pl
from jax.experimental.pallas import tpu as pltpu
from jax.experimental.pallas import tpu_sc as plsc

BATCH = 16384
HIST = 20
DIM = 64
VOCAB = 1000000
TOTAL = BATCH * HIST

_INFO = plsc.get_sparse_core_info()
NUM_CORES = _INFO.num_cores
NUM_SUBCORES = _INFO.num_subcores
NUM_WORKERS = NUM_CORES * NUM_SUBCORES

PER_WORKER = TOTAL // NUM_WORKERS
IDX_MINOR = 128
IDX_ROWS = PER_WORKER // IDX_MINOR
NBUF = 10
LAG = 6
NITER = IDX_ROWS // NBUF

_mesh = plsc.VectorSubcoreMesh(core_axis_name="c", subcore_axis_name="s")


@functools.partial(
    pl.kernel,
    mesh=_mesh,
    out_type=jax.ShapeDtypeStruct((TOTAL, DIM), jnp.float32),
    scratch_types=[
        pltpu.VMEM((IDX_ROWS, IDX_MINOR), jnp.int32),
        pltpu.VMEM((NBUF, IDX_MINOR, DIM), jnp.float32),
        pltpu.SemaphoreType.DMA((NBUF,)),
        pltpu.SemaphoreType.DMA((NBUF,)),
    ],
    compiler_params=pltpu.CompilerParams(use_tc_tiling_on_sc=False),
)
def _embed(table_hbm, idx_hbm, out_hbm, idx_v, bufs, sem_g, sem_o):
    wid = lax.axis_index("s") * NUM_CORES + lax.axis_index("c")
    base = wid * PER_WORKER
    pltpu.sync_copy(idx_hbm.at[wid], idx_v)

    def fire_gather(step, b):
        pltpu.async_copy(table_hbm.at[idx_v.at[step]], bufs.at[b], sem_g.at[b])

    def wait_gather(b):
        pltpu.make_async_copy(
            table_hbm.at[pl.ds(0, IDX_MINOR)], bufs.at[b], sem_g.at[b]
        ).wait()

    def fire_copyout(step, b):
        pltpu.async_copy(
            bufs.at[b],
            out_hbm.at[pl.ds(base + step * IDX_MINOR, IDX_MINOR)],
            sem_o.at[b],
        )

    def wait_copyout(b):
        pltpu.make_async_copy(
            bufs.at[b], out_hbm.at[pl.ds(base, IDX_MINOR)], sem_o.at[b]
        ).wait()

    for j in range(LAG):
        fire_gather(j, j)

    def body(i, carry):
        for k in range(NBUF):
            bg = (k + LAG) % NBUF
            if k < NBUF - LAG:
                @pl.when(i > 0)
                def _():
                    wait_copyout(bg)

                fire_gather(i * NBUF + k + LAG, bg)
            else:
                @pl.when(i < NITER - 1)
                def _():
                    wait_copyout(bg)
                    fire_gather(i * NBUF + k + LAG, bg)

            wait_gather(k)
            fire_copyout(i * NBUF + k, k)
        return carry

    lax.fori_loop(0, NITER, body, 0)

    for k in range(NBUF):
        wait_copyout(k)


def kernel(input_, weight):
    idx = input_.reshape(NUM_WORKERS, IDX_ROWS, IDX_MINOR).astype(jnp.int32)
    out = _embed(weight, idx)
    return out.reshape(BATCH, HIST, DIM)

# --- scband reference (transcript-rebuilt; emitter-appended) ---
"""Pipeline reference for scband-vocab-parallel-embedding-16673063043262 (READ-ONLY COPY).

The authoritative reference and input builder live on the scoring server;
editing this copy changes nothing except your own understanding.
"""

import jax, jax.numpy as jnp
import numpy as np

NUM_EMBEDDINGS = 1000000
EMBEDDING_DIM = 64
BATCH = 16384
HIST = 20

def setup_inputs(seed: int = 0) -> dict:
    key = jax.random.key(seed)
    k_idx, k_w = jax.random.split(key)
    input_ = jax.random.randint(k_idx, (BATCH, HIST), 0, NUM_EMBEDDINGS, dtype=jnp.int64 if jax.config.read('jax_enable_x64') else jnp.int32)
    weight = jax.random.normal(k_w, (NUM_EMBEDDINGS, EMBEDDING_DIM), dtype=jnp.float32) * 0.02
    return {"input_": input_, "weight": weight}

def reference(input_, weight):
    # world_size == 1: masked_input = input_, no masking, no reduce.
    # F.embedding -> row gather from the (full) table.
    output = jnp.take(weight, input_, axis=0)
    return output

if __name__ == "__main__":
    import jax
    _d = setup_inputs()
    print(jax.jit(kernel)(*tuple(_d.values())))

</pallas_src>

<mosaic_0001>
#map = affine_map<(d0, d1) -> (0, 0)>
#map1 = affine_map<(d0, d1) -> (0, 0, 0)>
module attributes {stable_mosaic.version = 14 : i64} {
  func.func @_embed(%arg0: i32, %arg1: i32, %arg2: memref<1000000x64xf32, #tpu.memory_space<hbm>>, %arg3: memref<32x80x128xi32, #tpu.memory_space<hbm>>, %arg4: memref<327680x64xf32, #tpu.memory_space<hbm>>, %arg5: memref<80x128xi32, #tpu.memory_space<vmem>>, %arg6: memref<10x128x64xf32, #tpu.memory_space<vmem>>, %arg7: memref<10x!tpu.dma_semaphore, #tpu.memory_space<semaphore_mem>>, %arg8: memref<10x!tpu.dma_semaphore, #tpu.memory_space<semaphore_mem>>) attributes {dimension_semantics = [#tpu.dimension_semantics<core_parallel>, #tpu.dimension_semantics<subcore_parallel>], iteration_bounds = array<i64: 2, 16>, scalar_prefetch = 0 : i64, scratch_operands = 4 : i64, tpu.core_type = #tpu.core_type<sc_vector_subcore>, window_params = [{transform_indices = #map}, {transform_indices = #map1}, {transform_indices = #map}]} {
    %mul3A = arith.constant 2 : i32
    %mul3A_0 = arith.muli %arg1, %mul3A : i32
    %add3A = arith.addi %mul3A_0, %arg0 : i32
    %mul3A_1 = arith.constant 10240 : i32
    %mul3A_2 = arith.muli %add3A, %mul3A_1 : i32
    "tpu.region"() ({
      %run_scoped3A = tpu.sem_alloc : memref<!tpu.dma_semaphore, #tpu.memory_space<semaphore_mem>>
      %dma_start3A_256 = arith.constant 0 : i32
      %dma_start3A_257 = arith.constant 0 : i32
      %dma_start3A_258 = tpu.memref_slice %arg3[%add3A, %dma_start3A_256, %dma_start3A_257] : memref<32x80x128xi32, #tpu.memory_space<hbm>> -> memref<1x80x128xi32, #tpu.memory_space<hbm>>
      %dma_start3A_259 = tpu.memref_squeeze %dma_start3A_258 : memref<1x80x128xi32, #tpu.memory_space<hbm>> -> memref<80x128xi32, #tpu.memory_space<hbm>>
      %dma_start3A_260 = arith.constant 0 : i32
      %dma_start3A_261 = arith.constant 0 : i32
      %dma_start3A_262 = tpu.memref_slice %arg3[%add3A, %dma_start3A_260, %dma_start3A_261] : memref<32x80x128xi32, #tpu.memory_space<hbm>> -> memref<1x80x128xi32, #tpu.memory_space<hbm>>
      %dma_start3A_263 = tpu.memref_squeeze %dma_start3A_262 : memref<1x80x128xi32, #tpu.memory_space<hbm>> -> memref<80x128xi32, #tpu.memory_space<hbm>>
      tpu.enqueue_dma source(%dma_start3A_263 : memref<80x128xi32, #tpu.memory_space<hbm>>) target(%arg5 : memref<80x128xi32, #tpu.memory_space<vmem>>) target_semaphore(%run_scoped3A : memref<!tpu.dma_semaphore, #tpu.memory_space<semaphore_mem>>)
      %dma_wait3A_264 = arith.constant 0 : i32
      %dma_wait3A_265 = arith.constant 0 : i32
      %dma_wait3A_266 = tpu.memref_slice %arg3[%add3A, %dma_wait3A_264, %dma_wait3A_265] : memref<32x80x128xi32, #tpu.memory_space<hbm>> -> memref<1x80x128xi32, #tpu.memory_space<hbm>>
      %dma_wait3A_267 = tpu.memref_squeeze %dma_wait3A_266 : memref<1x80x128xi32, #tpu.memory_space<hbm>> -> memref<80x128xi32, #tpu.memory_space<hbm>>
      %dma_wait3A_268 = arith.constant 0 : i32
      %dma_wait3A_269 = arith.constant 0 : i32
      %dma_wait3A_270 = tpu.memref_slice %arg3[%add3A, %dma_wait3A_268, %dma_wait3A_269] : memref<32x80x128xi32, #tpu.memory_space<hbm>> -> memref<1x80x128xi32, #tpu.memory_space<hbm>>
      %dma_wait3A_271 = tpu.memref_squeeze %dma_wait3A_270 : memref<1x80x128xi32, #tpu.memory_space<hbm>> -> memref<80x128xi32, #tpu.memory_space<hbm>>
      tpu.wait_dma2 semaphore(%run_scoped3A : memref<!tpu.dma_semaphore, #tpu.memory_space<semaphore_mem>>) src(%dma_wait3A_271 : memref<80x128xi32, #tpu.memory_space<hbm>>) dst(%arg5 : memref<80x128xi32, #tpu.memory_space<vmem>>)
      tpu.yield
    }) : () -> ()
    %dma_start3A = arith.constant 0 : i32
    %dma_start3A_3 = arith.constant 0 : i32
    %dma_start3A_4 = arith.constant 0 : i32
    %dma_start3A_5 = arith.constant 0 : i32
    %dma_start3A_6 = arith.constant 0 : i32
    %dma_start3A_7 = tpu.memref_slice %arg6[%dma_start3A_3, %dma_start3A_5, %dma_start3A_6] : memref<10x128x64xf32, #tpu.memory_space<vmem>> -> memref<1x128x64xf32, #tpu.memory_space<vmem>>
    %dma_start3A_8 = tpu.memref_squeeze %dma_start3A_7 : memref<1x128x64xf32, #tpu.memory_space<vmem>> -> memref<128x64xf32, #tpu.memory_space<vmem>>
    %dma_start3A_9 = arith.constant 0 : i32
    %dma_start3A_10 = tpu.memref_slice %arg5[%dma_start3A, %dma_start3A_9] : memref<80x128xi32, #tpu.memory_space<vmem>> -> memref<1x128xi32, #tpu.memory_space<vmem>>
    %dma_start3A_11 = tpu.memref_squeeze %dma_start3A_10 : memref<1x128xi32, #tpu.memory_space<vmem>> -> memref<128xi32, #tpu.memory_space<vmem>>
    %dma_start3A_12 = arith.constant 0 : i32
    %dma_start3A_13 = arith.constant 0 : i32
    %dma_start3A_14 = tpu.memref_slice %arg2[%dma_start3A_12, %dma_start3A_13] : memref<1000000x64xf32, #tpu.memory_space<hbm>> -> memref<1000000x64xf32, #tpu.memory_space<hbm>>
    %dma_start3A_15 = tpu.memref_slice %arg7[%dma_start3A_4] : memref<10x!tpu.dma_semaphore, #tpu.memory_space<semaphore_mem>> -> memref<1x!tpu.dma_semaphore, #tpu.memory_space<semaphore_mem>>
    %dma_start3A_16 = tpu.memref_squeeze %dma_start3A_15 : memref<1x!tpu.dma_semaphore, #tpu.memory_space<semaphore_mem>> -> memref<!tpu.dma_semaphore, #tpu.memory_space<semaphore_mem>>
    tpu.enqueue_indirect_dma source(%dma_start3A_14 : memref<1000000x64xf32, #tpu.memory_space<hbm>>) target(%dma_start3A_8 : memref<128x64xf32, #tpu.memory_space<vmem>>) offsets(%dma_start3A_11 : memref<128xi32, #tpu.memory_space<vmem>>) semaphore(%dma_start3A_16 : memref<!tpu.dma_semaphore, #tpu.memory_space<semaphore_mem>>)
    %dma_start3A_17 = arith.constant 1 : i32
    %dma_start3A_18 = arith.constant 1 : i32
    %dma_start3A_19 = arith.constant 1 : i32
    %dma_start3A_20 = arith.constant 0 : i32
    %dma_start3A_21 = arith.constant 0 : i32
    %dma_start3A_22 = tpu.memref_slice %arg6[%dma_start3A_18, %dma_start3A_20, %dma_start3A_21] : memref<10x128x64xf32, #tpu.memory_space<vmem>> -> memref<1x128x64xf32, #tpu.memory_space<vmem>>
    %dma_start3A_23 = tpu.memref_squeeze %dma_start3A_22 : memref<1x128x64xf32, #tpu.memory_space<vmem>> -> memref<128x64xf32, #tpu.memory_space<vmem>>
    %dma_start3A_24 = arith.constant 0 : i32
    %dma_start3A_25 = tpu.memref_slice %arg5[%dma_start3A_17, %dma_start3A_24] : memref<80x128xi32, #tpu.memory_space<vmem>> -> memref<1x128xi32, #tpu.memory_space<vmem>>
    %dma_start3A_26 = tpu.memref_squeeze %dma_start3A_25 : memref<1x128xi32, #tpu.memory_space<vmem>> -> memref<128xi32, #tpu.memory_space<vmem>>
    %dma_start3A_27 = arith.constant 0 : i32
    %dma_start3A_28 = arith.constant 0 : i32
    %dma_start3A_29 = tpu.memref_slice %arg2[%dma_start3A_27, %dma_start3A_28] : memref<1000000x64xf32, #tpu.memory_space<hbm>> -> memref<1000000x64xf32, #tpu.memory_space<hbm>>
    %dma_start3A_30 = tpu.memref_slice %arg7[%dma_start3A_19] : memref<10x!tpu.dma_semaphore, #tpu.memory_space<semaphore_mem>> -> memref<1x!tpu.dma_semaphore, #tpu.memory_space<semaphore_mem>>
    %dma_start3A_31 = tpu.memref_squeeze %dma_start3A_30 : memref<1x!tpu.dma_semaphore, #tpu.memory_space<semaphore_mem>> -> memref<!tpu.dma_semaphore, #tpu.memory_space<semaphore_mem>>
    tpu.enqueue_indirect_dma source(%dma_start3A_29 : memref<1000000x64xf32, #tpu.memory_space<hbm>>) target(%dma_start3A_23 : memref<128x64xf32, #tpu.memory_space<vmem>>) offsets(%dma_start3A_26 : memref<128xi32, #tpu.memory_space<vmem>>) semaphore(%dma_start3A_31 : memref<!tpu.dma_semaphore, #tpu.memory_space<semaphore_mem>>)
    %dma_start3A_32 = arith.constant 2 : i32
    %dma_start3A_33 = arith.constant 2 : i32
    %dma_start3A_34 = arith.constant 2 : i32
    %dma_start3A_35 = arith.constant 0 : i32
    %dma_start3A_36 = arith.constant 0 : i32
    %dma_start3A_37 = tpu.memref_slice %arg6[%dma_start3A_33, %dma_start3A_35, %dma_start3A_36] : memref<10x128x64xf32, #tpu.memory_space<vmem>> -> memref<1x128x64xf32, #tpu.memory_space<vmem>>
    %dma_start3A_38 = tpu.memref_squeeze %dma_start3A_37 : memref<1x128x64xf32, #tpu.memory_space<vmem>> -> memref<128x64xf32, #tpu.memory_space<vmem>>
    %dma_start3A_39 = arith.constant 0 : i32
    %dma_start3A_40 = tpu.memref_slice %arg5[%dma_start3A_32, %dma_start3A_39] : memref<80x128xi32, #tpu.memory_space<vmem>> -> memref<1x128xi32, #tpu.memory_space<vmem>>
    %dma_start3A_41 = tpu.memref_squeeze %dma_start3A_40 : memref<1x128xi32, #tpu.memory_space<vmem>> -> memref<128xi32, #tpu.memory_space<vmem>>
    %dma_start3A_42 = arith.constant 0 : i32
    %dma_start3A_43 = arith.constant 0 : i32
    %dma_start3A_44 = tpu.memref_slice %arg2[%dma_start3A_42, %dma_start3A_43] : memref<1000000x64xf32, #tpu.memory_space<hbm>> -> memref<1000000x64xf32, #tpu.memory_space<hbm>>
    %dma_start3A_45 = tpu.memref_slice %arg7[%dma_start3A_34] : memref<10x!tpu.dma_semaphore, #tpu.memory_space<semaphore_mem>> -> memref<1x!tpu.dma_semaphore, #tpu.memory_space<semaphore_mem>>
    %dma_start3A_46 = tpu.memref_squeeze %dma_start3A_45 : memref<1x!tpu.dma_semaphore, #tpu.memory_space<semaphore_mem>> -> memref<!tpu.dma_semaphore, #tpu.memory_space<semaphore_mem>>
    tpu.enqueue_indirect_dma source(%dma_start3A_44 : memref<1000000x64xf32, #tpu.memory_space<hbm>>) target(%dma_start3A_38 : memref<128x64xf32, #tpu.memory_space<vmem>>) offsets(%dma_start3A_41 : memref<128xi32, #tpu.memory_space<vmem>>) semaphore(%dma_start3A_46 : memref<!tpu.dma_semaphore, #tpu.memory_space<semaphore_mem>>)
    %dma_start3A_47 = arith.constant 3 : i32
    %dma_start3A_48 = arith.constant 3 : i32
    %dma_start3A_49 = arith.constant 3 : i32
    %dma_start3A_50 = arith.constant 0 : i32
    %dma_start3A_51 = arith.constant 0 : i32
    %dma_start3A_52 = tpu.memref_slice %arg6[%dma_start3A_48, %dma_start3A_50, %dma_start3A_51] : memref<10x128x64xf32, #tpu.memory_space<vmem>> -> memref<1x128x64xf32, #tpu.memory_space<vmem>>
    %dma_start3A_53 = tpu.memref_squeeze %dma_start3A_52 : memref<1x128x64xf32, #tpu.memory_space<vmem>> -> memref<128x64xf32, #tpu.memory_space<vmem>>
    %dma_start3A_54 = arith.constant 0 : i32
    %dma_start3A_55 = tpu.memref_slice %arg5[%dma_start3A_47, %dma_start3A_54] : memref<80x128xi32, #tpu.memory_space<vmem>> -> memref<1x128xi32, #tpu.memory_space<vmem>>
    %dma_start3A_56 = tpu.memref_squeeze %dma_start3A_55 : memref<1x128xi32, #tpu.memory_space<vmem>> -> memref<128xi32, #tpu.memory_space<vmem>>
    %dma_start3A_57 = arith.constant 0 : i32
    %dma_start3A_58 = arith.constant 0 : i32
    %dma_start3A_59 = tpu.memref_slice %arg2[%dma_start3A_57, %dma_start3A_58] : memref<1000000x64xf32, #tpu.memory_space<hbm>> -> memref<1000000x64xf32, #tpu.memory_space<hbm>>
    %dma_start3A_60 = tpu.memref_slice %arg7[%dma_start3A_49] : memref<10x!tpu.dma_semaphore, #tpu.memory_space<semaphore_mem>> -> memref<1x!tpu.dma_semaphore, #tpu.memory_space<semaphore_mem>>
    %dma_start3A_61 = tpu.memref_squeeze %dma_start3A_60 : memref<1x!tpu.dma_semaphore, #tpu.memory_space<semaphore_mem>> -> memref<!tpu.dma_semaphore, #tpu.memory_space<semaphore_mem>>
    tpu.enqueue_indirect_dma source(%dma_start3A_59 : memref<1000000x64xf32, #tpu.memory_space<hbm>>) target(%dma_start3A_53 : memref<128x64xf32, #tpu.memory_space<vmem>>) offsets(%dma_start3A_56 : memref<128xi32, #tpu.memory_space<vmem>>) semaphore(%dma_start3A_61 : memref<!tpu.dma_semaphore, #tpu.memory_space<semaphore_mem>>)
    %dma_start3A_62 = arith.constant 4 : i32
    %dma_start3A_63 = arith.constant 4 : i32
    %dma_start3A_64 = arith.constant 4 : i32
    %dma_start3A_65 = arith.constant 0 : i32
    %dma_start3A_66 = arith.constant 0 : i32
    %dma_start3A_67 = tpu.memref_slice %arg6[%dma_start3A_63, %dma_start3A_65, %dma_start3A_66] : memref<10x128x64xf32, #tpu.memory_space<vmem>> -> memref<1x128x64xf32, #tpu.memory_space<vmem>>
    %dma_start3A_68 = tpu.memref_squeeze %dma_start3A_67 : memref<1x128x64xf32, #tpu.memory_space<vmem>> -> memref<128x64xf32, #tpu.memory_space<vmem>>
    %dma_start3A_69 = arith.constant 0 : i32
    %dma_start3A_70 = tpu.memref_slice %arg5[%dma_start3A_62, %dma_start3A_69] : memref<80x128xi32, #tpu.memory_space<vmem>> -> memref<1x128xi32, #tpu.memory_space<vmem>>
    %dma_start3A_71 = tpu.memref_squeeze %dma_start3A_70 : memref<1x128xi32, #tpu.memory_space<vmem>> -> memref<128xi32, #tpu.memory_space<vmem>>
    %dma_start3A_72 = arith.constant 0 : i32
    %dma_start3A_73 = arith.constant 0 : i32
    %dma_start3A_74 = tpu.memref_slice %arg2[%dma_start3A_72, %dma_start3A_73] : memref<1000000x64xf32, #tpu.memory_space<hbm>> -> memref<1000000x64xf32, #tpu.memory_space<hbm>>
    %dma_start3A_75 = tpu.memref_slice %arg7[%dma_start3A_64] : memref<10x!tpu.dma_semaphore, #tpu.memory_space<semaphore_mem>> -> memref<1x!tpu.dma_semaphore, #tpu.memory_space<semaphore_mem>>
    %dma_start3A_76 = tpu.memref_squeeze %dma_start3A_75 : memref<1x!tpu.dma_semaphore, #tpu.memory_space<semaphore_mem>> -> memref<!tpu.dma_semaphore, #tpu.memory_space<semaphore_mem>>
    tpu.enqueue_indirect_dma source(%dma_start3A_74 : memref<1000000x64xf32, #tpu.memory_space<hbm>>) target(%dma_start3A_68 : memref<128x64xf32, #tpu.memory_space<vmem>>) offsets(%dma_start3A_71 : memref<128xi32, #tpu.memory_space<vmem>>) semaphore(%dma_start3A_76 : memref<!tpu.dma_semaphore, #tpu.memory_space<semaphore_mem>>)
    %dma_start3A_77 = arith.constant 5 : i32
    %dma_start3A_78 = arith.constant 5 : i32
    %dma_start3A_79 = arith.constant 5 : i32
    %dma_start3A_80 = arith.constant 0 : i32
    %dma_start3A_81 = arith.constant 0 : i32
    %dma_start3A_82 = tpu.memref_slice %arg6[%dma_start3A_78, %dma_start3A_80, %dma_start3A_81] : memref<10x128x64xf32, #tpu.memory_space<vmem>> -> memref<1x128x64xf32, #tpu.memory_space<vmem>>
    %dma_start3A_83 = tpu.memref_squeeze %dma_start3A_82 : memref<1x128x64xf32, #tpu.memory_space<vmem>> -> memref<128x64xf32, #tpu.memory_space<vmem>>
    %dma_start3A_84 = arith.constant 0 : i32
    %dma_start3A_85 = tpu.memref_slice %arg5[%dma_start3A_77, %dma_start3A_84] : memref<80x128xi32, #tpu.memory_space<vmem>> -> memref<1x128xi32, #tpu.memory_space<vmem>>
    %dma_start3A_86 = tpu.memref_squeeze %dma_start3A_85 : memref<1x128xi32, #tpu.memory_space<vmem>> -> memref<128xi32, #tpu.memory_space<vmem>>
    %dma_start3A_87 = arith.constant 0 : i32
    %dma_start3A_88 = arith.constant 0 : i32
    %dma_start3A_89 = tpu.memref_slice %arg2[%dma_start3A_87, %dma_start3A_88] : memref<1000000x64xf32, #tpu.memory_space<hbm>> -> memref<1000000x64xf32, #tpu.memory_space<hbm>>
    %dma_start3A_90 = tpu.memref_slice %arg7[%dma_start3A_79] : memref<10x!tpu.dma_semaphore, #tpu.memory_space<semaphore_mem>> -> memref<1x!tpu.dma_semaphore, #tpu.memory_space<semaphore_mem>>
    %dma_start3A_91 = tpu.memref_squeeze %dma_start3A_90 : memref<1x!tpu.dma_semaphore, #tpu.memory_space<semaphore_mem>> -> memref<!tpu.dma_semaphore, #tpu.memory_space<semaphore_mem>>
    tpu.enqueue_indirect_dma source(%dma_start3A_89 : memref<1000000x64xf32, #tpu.memory_space<hbm>>) target(%dma_start3A_83 : memref<128x64xf32, #tpu.memory_space<vmem>>) offsets(%dma_start3A_86 : memref<128xi32, #tpu.memory_space<vmem>>) semaphore(%dma_start3A_91 : memref<!tpu.dma_semaphore, #tpu.memory_space<semaphore_mem>>)
    %scan3A = arith.constant 0 : i32
    %scan3A_92 = arith.constant 0 : i32
    %scan3A_93 = arith.constant 8 : i32
    %scan3A_94 = arith.addi %scan3A_92, %scan3A_93 : i32
    %scan3A_95 = arith.constant 1 : i32
    scf.for %scan3A_256 = %scan3A_92 to %scan3A_94 step %scan3A_95  : i32 {
      %gt3A = arith.constant 0 : i32
      %gt3A_257 = arith.cmpi sgt, %scan3A_256, %gt3A : i32
      %convert_element_type3A = arith.extui %gt3A_257 : i1 to i32
      %cond3A = arith.constant 0 : i32
      %cond3A_258 = arith.cmpi ne, %convert_element_type3A, %cond3A : i32
      scf.if %cond3A_258 {
        %dma_wait3A_793 = arith.constant 6 : i32
        %dma_wait3A_794 = arith.constant 6 : i32
        %dma_wait3A_795 = arith.constant 0 : i32
        %dma_wait3A_796 = arith.constant 0 : i32
        %dma_wait3A_797 = tpu.memref_slice %arg6[%dma_wait3A_793, %dma_wait3A_795, %dma_wait3A_796] : memref<10x128x64xf32, #tpu.memory_space<vmem>> -> memref<1x128x64xf32, #tpu.memory_space<vmem>>
        %dma_wait3A_798 = tpu.memref_squeeze %dma_wait3A_797 : memref<1x128x64xf32, #tpu.memory_space<vmem>> -> memref<128x64xf32, #tpu.memory_space<vmem>>
        %dma_wait3A_799 = arith.constant 0 : i32
        %dma_wait3A_800 = tpu.memref_slice %arg4[%mul3A_2, %dma_wait3A_799] : memref<327680x64xf32, #tpu.memory_space<hbm>> -> memref<128x64xf32, #tpu.memory_space<hbm>>
        %dma_wait3A_801 = tpu.memref_slice %arg8[%dma_wait3A_794] : memref<10x!tpu.dma_semaphore, #tpu.memory_space<semaphore_mem>> -> memref<1x!tpu.dma_semaphore, #tpu.memory_space<semaphore_mem>>
        %dma_wait3A_802 = tpu.memref_squeeze %dma_wait3A_801 : memref<1x!tpu.dma_semaphore, #tpu.memory_space<semaphore_mem>> -> memref<!tpu.dma_semaphore, #tpu.memory_space<semaphore_mem>>
        %dma_wait3A_803 = arith.constant 0 : i32
        %dma_wait3A_804 = tpu.memref_slice %arg4[%mul3A_2, %dma_wait3A_803] : memref<327680x64xf32, #tpu.memory_space<hbm>> -> memref<128x64xf32, #tpu.memory_space<hbm>>
        %dma_wait3A_805 = arith.constant 0 : i32
        %dma_wait3A_806 = arith.constant 0 : i32
        %dma_wait3A_807 = tpu.memref_slice %arg6[%dma_wait3A_793, %dma_wait3A_805, %dma_wait3A_806] : memref<10x128x64xf32, #tpu.memory_space<vmem>> -> memref<1x128x64xf32, #tpu.memory_space<vmem>>
        %dma_wait3A_808 = tpu.memref_squeeze %dma_wait3A_807 : memref<1x128x64xf32, #tpu.memory_space<vmem>> -> memref<128x64xf32, #tpu.memory_space<vmem>>
        tpu.wait_dma2 semaphore(%dma_wait3A_802 : memref<!tpu.dma_semaphore, #tpu.memory_space<semaphore_mem>>) src(%dma_wait3A_808 : memref<128x64xf32, #tpu.memory_space<vmem>>) dst(%dma_wait3A_804 : memref<128x64xf32, #tpu.memory_space<hbm>>)
      } else {
      }
      %mul3A_259 = arith.constant 10 : i32
      %mul3A_260 = arith.muli %scan3A_256, %mul3A_259 : i32
      %add3A_261 = arith.constant 0 : i32
      %add3A_262 = arith.addi %mul3A_260, %add3A_261 : i32
      %add3A_263 = arith.constant 6 : i32
      %add3A_264 = arith.addi %add3A_262, %add3A_263 : i32
      %dma_start3A_265 = arith.constant 6 : i32
      %dma_start3A_266 = arith.constant 6 : i32
      %dma_start3A_267 = arith.constant 0 : i32
      %dma_start3A_268 = arith.constant 0 : i32
      %dma_start3A_269 = tpu.memref_slice %arg6[%dma_start3A_265, %dma_start3A_267, %dma_start3A_268] : memref<10x128x64xf32, #tpu.memory_space<vmem>> -> memref<1x128x64xf32, #tpu.memory_space<vmem>>
      %dma_start3A_270 = tpu.memref_squeeze %dma_start3A_269 : memref<1x128x64xf32, #tpu.memory_space<vmem>> -> memref<128x64xf32, #tpu.memory_space<vmem>>
      %dma_start3A_271 = arith.constant 0 : i32
      %dma_start3A_272 = tpu.memref_slice %arg5[%add3A_264, %dma_start3A_271] : memref<80x128xi32, #tpu.memory_space<vmem>> -> memref<1x128xi32, #tpu.memory_space<vmem>>
      %dma_start3A_273 = tpu.memref_squeeze %dma_start3A_272 : memref<1x128xi32, #tpu.memory_space<vmem>> -> memref<128xi32, #tpu.memory_space<vmem>>
      %dma_start3A_274 = arith.constant 0 : i32
      %dma_start3A_275 = arith.constant 0 : i32
      %dma_start3A_276 = tpu.memref_slice %arg2[%dma_start3A_274, %dma_start3A_275] : memref<1000000x64xf32, #tpu.memory_space<hbm>> -> memref<1000000x64xf32, #tpu.memory_space<hbm>>
      %dma_start3A_277 = tpu.memref_slice %arg7[%dma_start3A_266] : memref<10x!tpu.dma_semaphore, #tpu.memory_space<semaphore_mem>> -> memref<1x!tpu.dma_semaphore, #tpu.memory_space<semaphore_mem>>
      %dma_start3A_278 = tpu.memref_squeeze %dma_start3A_277 : memref<1x!tpu.dma_semaphore, #tpu.memory_space<semaphore_mem>> -> memref<!tpu.dma_semaphore, #tpu.memory_space<semaphore_mem>>
      tpu.enqueue_indirect_dma source(%dma_start3A_276 : memref<1000000x64xf32, #tpu.memory_space<hbm>>) target(%dma_start3A_270 : memref<128x64xf32, #tpu.memory_space<vmem>>) offsets(%dma_start3A_273 : memref<128xi32, #tpu.memory_space<vmem>>) semaphore(%dma_start3A_278 : memref<!tpu.dma_semaphore, #tpu.memory_space<semaphore_mem>>)
      %dma_wait3A_279 = arith.constant 0 : i32
      %dma_wait3A_280 = arith.constant 0 : i32
      %dma_wait3A_281 = arith.constant 0 : i32
      %dma_wait3A_282 = arith.constant 0 : i32
      %dma_wait3A_283 = tpu.memref_slice %arg6[%dma_wait3A_279, %dma_wait3A_281, %dma_wait3A_282] : memref<10x128x64xf32, #tpu.memory_space<vmem>> -> memref<1x128x64xf32, #tpu.memory_space<vmem>>
      %dma_wait3A_284 = tpu.memref_squeeze %dma_wait3A_283 : memref<1x128x64xf32, #tpu.memory_space<vmem>> -> memref<128x64xf32, #tpu.memory_space<vmem>>
      %dma_wait3A_285 = arith.constant 0 : i32
      %dma_wait3A_286 = arith.constant 0 : i32
      %dma_wait3A_287 = tpu.memref_slice %arg2[%dma_wait3A_285, %dma_wait3A_286] : memref<1000000x64xf32, #tpu.memory_space<hbm>> -> memref<128x64xf32, #tpu.memory_space<hbm>>
      %dma_wait3A_288 = tpu.memref_slice %arg7[%dma_wait3A_280] : memref<10x!tpu.dma_semaphore, #tpu.memory_space<semaphore_mem>> -> memref<1x!tpu.dma_semaphore, #tpu.memory_space<semaphore_mem>>
      %dma_wait3A_289 = tpu.memref_squeeze %dma_wait3A_288 : memref<1x!tpu.dma_semaphore, #tpu.memory_space<semaphore_mem>> -> memref<!tpu.dma_semaphore, #tpu.memory_space<semaphore_mem>>
      %dma_wait3A_290 = arith.constant 0 : i32
      %dma_wait3A_291 = arith.constant 0 : i32
      %dma_wait3A_292 = tpu.memref_slice %arg6[%dma_wait3A_279, %dma_wait3A_290, %dma_wait3A_291] : memref<10x128x64xf32, #tpu.memory_space<vmem>> -> memref<1x128x64xf32, #tpu.memory_space<vmem>>
      %dma_wait3A_293 = tpu.memref_squeeze %dma_wait3A_292 : memref<1x128x64xf32, #tpu.memory_space<vmem>> -> memref<128x64xf32, #tpu.memory_space<vmem>>
      %dma_wait3A_294 = arith.constant 0 : i32
      %dma_wait3A_295 = arith.constant 0 : i32
      %dma_wait3A_296 = tpu.memref_slice %arg2[%dma_wait3A_294, %dma_wait3A_295] : memref<1000000x64xf32, #tpu.memory_space<hbm>> -> memref<128x64xf32, #tpu.memory_space<hbm>>
      tpu.wait_dma2 semaphore(%dma_wait3A_289 : memref<!tpu.dma_semaphore, #tpu.memory_space<semaphore_mem>>) src(%dma_wait3A_296 : memref<128x64xf32, #tpu.memory_space<hbm>>) dst(%dma_wait3A_293 : memref<128x64xf32, #tpu.memory_space<vmem>>)
      %mul3A_297 = arith.constant 10 : i32
      %mul3A_298 = arith.muli %scan3A_256, %mul3A_297 : i32
      %add3A_299 = arith.constant 0 : i32
      %add3A_300 = arith.addi %mul3A_298, %add3A_299 : i32
      %mul3A_301 = arith.constant 128 : i32
      %mul3A_302 = arith.muli %add3A_300, %mul3A_301 : i32
      %add3A_303 = arith.addi %mul3A_2, %mul3A_302 : i32
      %dma_start3A_304 = arith.constant 0 : i32
      %dma_start3A_305 = arith.constant 0 : i32
      %dma_start3A_306 = arith.constant 0 : i32
      %dma_start3A_307 = arith.constant 0 : i32
      %dma_start3A_308 = tpu.memref_slice %arg6[%dma_start3A_304, %dma_start3A_306, %dma_start3A_307] : memref<10x128x64xf32, #tpu.memory_space<vmem>> -> memref<1x128x64xf32, #tpu.memory_space<vmem>>
      %dma_start3A_309 = tpu.memref_squeeze %dma_start3A_308 : memref<1x128x64xf32, #tpu.memory_space<vmem>> -> memref<128x64xf32, #tpu.memory_space<vmem>>
      %dma_start3A_310 = arith.constant 0 : i32
      %dma_start3A_311 = tpu.memref_slice %arg4[%add3A_303, %dma_start3A_310] : memref<327680x64xf32, #tpu.memory_space<hbm>> -> memref<128x64xf32, #tpu.memory_space<hbm>>
      %dma_start3A_312 = tpu.memref_slice %arg8[%dma_start3A_305] : memref<10x!tpu.dma_semaphore, #tpu.memory_space<semaphore_mem>> -> memref<1x!tpu.dma_semaphore, #tpu.memory_space<semaphore_mem>>
      %dma_start3A_313 = tpu.memref_squeeze %dma_start3A_312 : memref<1x!tpu.dma_semaphore, #tpu.memory_space<semaphore_mem>> -> memref<!tpu.dma_semaphore, #tpu.memory_space<semaphore_mem>>
      %dma_start3A_314 = arith.constant 0 : i32
      %dma_start3A_315 = tpu.memref_slice %arg4[%add3A_303, %dma_start3A_314] : memref<327680x64xf32, #tpu.memory_space<hbm>> -> memref<128x64xf32, #tpu.memory_space<hbm>>
      %dma_start3A_316 = arith.constant 0 : i32
      %dma_start3A_317 = arith.constant 0 : i32
      %dma_start3A_318 = tpu.memref_slice %arg6[%dma_start3A_304, %dma_start3A_316, %dma_start3A_317] : memref<10x128x64xf32, #tpu.memory_space<vmem>> -> memref<1x128x64xf32, #tpu.memory_space<vmem>>
      %dma_start3A_319 = tpu.memref_squeeze %dma_start3A_318 : memref<1x128x64xf32, #tpu.memory_space<vmem>> -> memref<128x64xf32, #tpu.memory_space<vmem>>
      tpu.enqueue_dma source(%dma_start3A_319 : memref<128x64xf32, #tpu.memory_space<vmem>>) target(%dma_start3A_315 : memref<128x64xf32, #tpu.memory_space<hbm>>) target_semaphore(%dma_start3A_313 : memref<!tpu.dma_semaphore, #tpu.memory_space<semaphore_mem>>)
      %gt3A_320 = arith.constant 0 : i32
      %gt3A_321 = arith.cmpi sgt, %scan3A_256, %gt3A_320 : i32
      %convert_element_type3A_322 = arith.extui %gt3A_321 : i1 to i32
      %cond3A_323 = arith.constant 0 : i32
      %cond3A_324 = arith.cmpi ne, %convert_element_type3A_322, %cond3A_323 : i32
      scf.if %cond3A_324 {
        %dma_wait3A_793 = arith.constant 7 : i32
        %dma_wait3A_794 = arith.constant 7 : i32
        %dma_wait3A_795 = arith.constant 0 : i32
        %dma_wait3A_796 = arith.constant 0 : i32
        %dma_wait3A_797 = tpu.memref_slice %arg6[%dma_wait3A_793, %dma_wait3A_795, %dma_wait3A_796] : memref<10x128x64xf32, #tpu.memory_space<vmem>> -> memref<1x128x64xf32, #tpu.memory_space<vmem>>
        %dma_wait3A_798 = tpu.memref_squeeze %dma_wait3A_797 : memref<1x128x64xf32, #tpu.memory_space<vmem>> -> memref<128x64xf32, #tpu.memory_space<vmem>>
        %dma_wait3A_799 = arith.constant 0 : i32
        %dma_wait3A_800 = tpu.memref_slice %arg4[%mul3A_2, %dma_wait3A_799] : memref<327680x64xf32, #tpu.memory_space<hbm>> -> memref<128x64xf32, #tpu.memory_space<hbm>>
        %dma_wait3A_801 = tpu.memref_slice %arg8[%dma_wait3A_794] : memref<10x!tpu.dma_semaphore, #tpu.memory_space<semaphore_mem>> -> memref<1x!tpu.dma_semaphore, #tpu.memory_space<semaphore_mem>>
        %dma_wait3A_802 = tpu.memref_squeeze %dma_wait3A_801 : memref<1x!tpu.dma_semaphore, #tpu.memory_space<semaphore_mem>> -> memref<!tpu.dma_semaphore, #tpu.memory_space<semaphore_mem>>
        %dma_wait3A_803 = arith.constant 0 : i32
        %dma_wait3A_804 = tpu.memref_slice %arg4[%mul3A_2, %dma_wait3A_803] : memref<327680x64xf32, #tpu.memory_space<hbm>> -> memref<128x64xf32, #tpu.memory_space<hbm>>
        %dma_wait3A_805 = arith.constant 0 : i32
        %dma_wait3A_806 = arith.constant 0 : i32
        %dma_wait3A_807 = tpu.memref_slice %arg6[%dma_wait3A_793, %dma_wait3A_805, %dma_wait3A_806] : memref<10x128x64xf32, #tpu.memory_space<vmem>> -> memref<1x128x64xf32, #tpu.memory_space<vmem>>
        %dma_wait3A_808 = tpu.memref_squeeze %dma_wait3A_807 : memref<1x128x64xf32, #tpu.memory_space<vmem>> -> memref<128x64xf32, #tpu.memory_space<vmem>>
        tpu.wait_dma2 semaphore(%dma_wait3A_802 : memref<!tpu.dma_semaphore, #tpu.memory_space<semaphore_mem>>) src(%dma_wait3A_808 : memref<128x64xf32, #tpu.memory_space<vmem>>) dst(%dma_wait3A_804 : memref<128x64xf32, #tpu.memory_space<hbm>>)
      } else {
      }
      %mul3A_325 = arith.constant 10 : i32
      %mul3A_326 = arith.muli %scan3A_256, %mul3A_325 : i32
      %add3A_327 = arith.constant 1 : i32
      %add3A_328 = arith.addi %mul3A_326, %add3A_327 : i32
      %add3A_329 = arith.constant 6 : i32
      %add3A_330 = arith.addi %add3A_328, %add3A_329 : i32
      %dma_start3A_331 = arith.constant 7 : i32
      %dma_start3A_332 = arith.constant 7 : i32
      %dma_start3A_333 = arith.constant 0 : i32
      %dma_start3A_334 = arith.constant 0 : i32
      %dma_start3A_335 = tpu.memref_slice %arg6[%dma_start3A_331, %dma_start3A_333, %dma_start3A_334] : memref<10x128x64xf32, #tpu.memory_space<vmem>> -> memref<1x128x64xf32, #tpu.memory_space<vmem>>
      %dma_start3A_336 = tpu.memref_squeeze %dma_start3A_335 : memref<1x128x64xf32, #tpu.memory_space<vmem>> -> memref<128x64xf32, #tpu.memory_space<vmem>>
      %dma_start3A_337 = arith.constant 0 : i32
      %dma_start3A_338 = tpu.memref_slice %arg5[%add3A_330, %dma_start3A_337] : memref<80x128xi32, #tpu.memory_space<vmem>> -> memref<1x128xi32, #tpu.memory_space<vmem>>
      %dma_start3A_339 = tpu.memref_squeeze %dma_start3A_338 : memref<1x128xi32, #tpu.memory_space<vmem>> -> memref<128xi32, #tpu.memory_space<vmem>>
      %dma_start3A_340 = arith.constant 0 : i32
      %dma_start3A_341 = arith.constant 0 : i32
      %dma_start3A_342 = tpu.memref_slice %arg2[%dma_start3A_340, %dma_start3A_341] : memref<1000000x64xf32, #tpu.memory_space<hbm>> -> memref<1000000x64xf32, #tpu.memory_space<hbm>>
      %dma_start3A_343 = tpu.memref_slice %arg7[%dma_start3A_332] : memref<10x!tpu.dma_semaphore, #tpu.memory_space<semaphore_mem>> -> memref<1x!tpu.dma_semaphore, #tpu.memory_space<semaphore_mem>>
      %dma_start3A_344 = tpu.memref_squeeze %dma_start3A_343 : memref<1x!tpu.dma_semaphore, #tpu.memory_space<semaphore_mem>> -> memref<!tpu.dma_semaphore, #tpu.memory_space<semaphore_mem>>
      tpu.enqueue_indirect_dma source(%dma_start3A_342 : memref<1000000x64xf32, #tpu.memory_space<hbm>>) target(%dma_start3A_336 : memref<128x64xf32, #tpu.memory_space<vmem>>) offsets(%dma_start3A_339 : memref<128xi32, #tpu.memory_space<vmem>>) semaphore(%dma_start3A_344 : memref<!tpu.dma_semaphore, #tpu.memory_space<semaphore_mem>>)
      %dma_wait3A_345 = arith.constant 1 : i32
      %dma_wait3A_346 = arith.constant 1 : i32
      %dma_wait3A_347 = arith.constant 0 : i32
      %dma_wait3A_348 = arith.constant 0 : i32
      %dma_wait3A_349 = tpu.memref_slice %arg6[%dma_wait3A_345, %dma_wait3A_347, %dma_wait3A_348] : memref<10x128x64xf32, #tpu.memory_space<vmem>> -> memref<1x128x64xf32, #tpu.memory_space<vmem>>
      %dma_wait3A_350 = tpu.memref_squeeze %dma_wait3A_349 : memref<1x128x64xf32, #tpu.memory_space<vmem>> -> memref<128x64xf32, #tpu.memory_space<vmem>>
      %dma_wait3A_351 = arith.constant 0 : i32
      %dma_wait3A_352 = arith.constant 0 : i32
      %dma_wait3A_353 = tpu.memref_slice %arg2[%dma_wait3A_351, %dma_wait3A_352] : memref<1000000x64xf32, #tpu.memory_space<hbm>> -> memref<128x64xf32, #tpu.memory_space<hbm>>
      %dma_wait3A_354 = tpu.memref_slice %arg7[%dma_wait3A_346] : memref<10x!tpu.dma_semaphore, #tpu.memory_space<semaphore_mem>> -> memref<1x!tpu.dma_semaphore, #tpu.memory_space<semaphore_mem>>
      %dma_wait3A_355 = tpu.memref_squeeze %dma_wait3A_354 : memref<1x!tpu.dma_semaphore, #tpu.memory_space<semaphore_mem>> -> memref<!tpu.dma_semaphore, #tpu.memory_space<semaphore_mem>>
      %dma_wait3A_356 = arith.constant 0 : i32
      %dma_wait3A_357 = arith.constant 0 : i32
      %dma_wait3A_358 = tpu.memref_slice %arg6[%dma_wait3A_345, %dma_wait3A_356, %dma_wait3A_357] : memref<10x128x64xf32, #tpu.memory_space<vmem>> -> memref<1x128x64xf32, #tpu.memory_space<vmem>>
      %dma_wait3A_359 = tpu.memref_squeeze %dma_wait3A_358 : memref<1x128x64xf32, #tpu.memory_space<vmem>> -> memref<128x64xf32, #tpu.memory_space<vmem>>
      %dma_wait3A_360 = arith.constant 0 : i32
      %dma_wait3A_361 = arith.constant 0 : i32
      %dma_wait3A_362 = tpu.memref_slice %arg2[%dma_wait3A_360, %dma_wait3A_361] : memref<1000000x64xf32, #tpu.memory_space<hbm>> -> memref<128x64xf32, #tpu.memory_space<hbm>>
      tpu.wait_dma2 semaphore(%dma_wait3A_355 : memref<!tpu.dma_semaphore, #tpu.memory_space<semaphore_mem>>) src(%dma_wait3A_362 : memref<128x64xf32, #tpu.memory_space<hbm>>) dst(%dma_wait3A_359 : memref<128x64xf32, #tpu.memory_space<vmem>>)
      %mul3A_363 = arith.constant 10 : i32
      %mul3A_364 = arith.muli %scan3A_256, %mul3A_363 : i32
      %add3A_365 = arith.constant 1 : i32
      %add3A_366 = arith.addi %mul3A_364, %add3A_365 : i32
      %mul3A_367 = arith.constant 128 : i32
      %mul3A_368 = arith.muli %add3A_366, %mul3A_367 : i32
      %add3A_369 = arith.addi %mul3A_2, %mul3A_368 : i32
      %dma_start3A_370 = arith.constant 1 : i32
      %dma_start3A_371 = arith.constant 1 : i32
      %dma_start3A_372 = arith.constant 0 : i32
      %dma_start3A_373 = arith.constant 0 : i32
      %dma_start3A_374 = tpu.memref_slice %arg6[%dma_start3A_370, %dma_start3A_372, %dma_start3A_373] : memref<10x128x64xf32, #tpu.memory_space<vmem>> -> memref<1x128x64xf32, #tpu.memory_space<vmem>>
      %dma_start3A_375 = tpu.memref_squeeze %dma_start3A_374 : memref<1x128x64xf32, #tpu.memory_space<vmem>> -> memref<128x64xf32, #tpu.memory_space<vmem>>
      %dma_start3A_376 = arith.constant 0 : i32
      %dma_start3A_377 = tpu.memref_slice %arg4[%add3A_369, %dma_start3A_376] : memref<327680x64xf32, #tpu.memory_space<hbm>> -> memref<128x64xf32, #tpu.memory_space<hbm>>
      %dma_start3A_378 = tpu.memref_slice %arg8[%dma_start3A_371] : memref<10x!tpu.dma_semaphore, #tpu.memory_space<semaphore_mem>> -> memref<1x!tpu.dma_semaphore, #tpu.memory_space<semaphore_mem>>
      %dma_start3A_379 = tpu.memref_squeeze %dma_start3A_378 : memref<1x!tpu.dma_semaphore, #tpu.memory_space<semaphore_mem>> -> memref<!tpu.dma_semaphore, #tpu.memory_space<semaphore_mem>>
      %dma_start3A_380 = arith.constant 0 : i32
      %dma_start3A_381 = tpu.memref_slice %arg4[%add3A_369, %dma_start3A_380] : memref<327680x64xf32, #tpu.memory_space<hbm>> -> memref<128x64xf32, #tpu.memory_space<hbm>>
      %dma_start3A_382 = arith.constant 0 : i32
      %dma_start3A_383 = arith.constant 0 : i32
      %dma_start3A_384 = tpu.memref_slice %arg6[%dma_start3A_370, %dma_start3A_382, %dma_start3A_383] : memref<10x128x64xf32, #tpu.memory_space<vmem>> -> memref<1x128x64xf32, #tpu.memory_space<vmem>>
      %dma_start3A_385 = tpu.memref_squeeze %dma_start3A_384 : memref<1x128x64xf32, #tpu.memory_space<vmem>> -> memref<128x64xf32, #tpu.memory_space<vmem>>
      tpu.enqueue_dma source(%dma_start3A_385 : memref<128x64xf32, #tpu.memory_space<vmem>>) target(%dma_start3A_381 : memref<128x64xf32, #tpu.memory_space<hbm>>) target_semaphore(%dma_start3A_379 : memref<!tpu.dma_semaphore, #tpu.memory_space<semaphore_mem>>)
      %gt3A_386 = arith.constant 0 : i32
      %gt3A_387 = arith.cmpi sgt, %scan3A_256, %gt3A_386 : i32
      %convert_element_type3A_388 = arith.extui %gt3A_387 : i1 to i32
      %cond3A_389 = arith.constant 0 : i32
      %cond3A_390 = arith.cmpi ne, %convert_element_type3A_388, %cond3A_389 : i32
      scf.if %cond3A_390 {
        %dma_wait3A_793 = arith.constant 8 : i32
        %dma_wait3A_794 = arith.constant 8 : i32
        %dma_wait3A_795 = arith.constant 0 : i32
        %dma_wait3A_796 = arith.constant 0 : i32
        %dma_wait3A_797 = tpu.memref_slice %arg6[%dma_wait3A_793, %dma_wait3A_795, %dma_wait3A_796] : memref<10x128x64xf32, #tpu.memory_space<vmem>> -> memref<1x128x64xf32, #tpu.memory_space<vmem>>
        %dma_wait3A_798 = tpu.memref_squeeze %dma_wait3A_797 : memref<1x128x64xf32, #tpu.memory_space<vmem>> -> memref<128x64xf32, #tpu.memory_space<vmem>>
        %dma_wait3A_799 = arith.constant 0 : i32
        %dma_wait3A_800 = tpu.memref_slice %arg4[%mul3A_2, %dma_wait3A_799] : memref<327680x64xf32, #tpu.memory_space<hbm>> -> memref<128x64xf32, #tpu.memory_space<hbm>>
        %dma_wait3A_801 = tpu.memref_slice %arg8[%dma_wait3A_794] : memref<10x!tpu.dma_semaphore, #tpu.memory_space<semaphore_mem>> -> memref<1x!tpu.dma_semaphore, #tpu.memory_space<semaphore_mem>>
        %dma_wait3A_802 = tpu.memref_squeeze %dma_wait3A_801 : memref<1x!tpu.dma_semaphore, #tpu.memory_space<semaphore_mem>> -> memref<!tpu.dma_semaphore, #tpu.memory_space<semaphore_mem>>
        %dma_wait3A_803 = arith.constant 0 : i32
        %dma_wait3A_804 = tpu.memref_slice %arg4[%mul3A_2, %dma_wait3A_803] : memref<327680x64xf32, #tpu.memory_space<hbm>> -> memref<128x64xf32, #tpu.memory_space<hbm>>
        %dma_wait3A_805 = arith.constant 0 : i32
        %dma_wait3A_806 = arith.constant 0 : i32
        %dma_wait3A_807 = tpu.memref_slice %arg6[%dma_wait3A_793, %dma_wait3A_805, %dma_wait3A_806] : memref<10x128x64xf32, #tpu.memory_space<vmem>> -> memref<1x128x64xf32, #tpu.memory_space<vmem>>
        %dma_wait3A_808 = tpu.memref_squeeze %dma_wait3A_807 : memref<1x128x64xf32, #tpu.memory_space<vmem>> -> memref<128x64xf32, #tpu.memory_space<vmem>>
        tpu.wait_dma2 semaphore(%dma_wait3A_802 : memref<!tpu.dma_semaphore, #tpu.memory_space<semaphore_mem>>) src(%dma_wait3A_808 : memref<128x64xf32, #tpu.memory_space<vmem>>) dst(%dma_wait3A_804 : memref<128x64xf32, #tpu.memory_space<hbm>>)
      } else {
      }
      %mul3A_391 = arith.constant 10 : i32
      %mul3A_392 = arith.muli %scan3A_256, %mul3A_391 : i32
      %add3A_393 = arith.constant 2 : i32
      %add3A_394 = arith.addi %mul3A_392, %add3A_393 : i32
      %add3A_395 = arith.constant 6 : i32
      %add3A_396 = arith.addi %add3A_394, %add3A_395 : i32
      %dma_start3A_397 = arith.constant 8 : i32
      %dma_start3A_398 = arith.constant 8 : i32
      %dma_start3A_399 = arith.constant 0 : i32
      %dma_start3A_400 = arith.constant 0 : i32
      %dma_start3A_401 = tpu.memref_slice %arg6[%dma_start3A_397, %dma_start3A_399, %dma_start3A_400] : memref<10x128x64xf32, #tpu.memory_space<vmem>> -> memref<1x128x64xf32, #tpu.memory_space<vmem>>
      %dma_start3A_402 = tpu.memref_squeeze %dma_start3A_401 : memref<1x128x64xf32, #tpu.memory_space<vmem>> -> memref<128x64xf32, #tpu.memory_space<vmem>>
      %dma_start3A_403 = arith.constant 0 : i32
      %dma_start3A_404 = tpu.memref_slice %arg5[%add3A_396, %dma_start3A_403] : memref<80x128xi32, #tpu.memory_space<vmem>> -> memref<1x128xi32, #tpu.memory_space<vmem>>
      %dma_start3A_405 = tpu.memref_squeeze %dma_start3A_404 : memref<1x128xi32, #tpu.memory_space<vmem>> -> memref<128xi32, #tpu.memory_space<vmem>>
      %dma_start3A_406 = arith.constant 0 : i32
      %dma_start3A_407 = arith.constant 0 : i32
      %dma_start3A_408 = tpu.memref_slice %arg2[%dma_start3A_406, %dma_start3A_407] : memref<1000000x64xf32, #tpu.memory_space<hbm>> -> memref<1000000x64xf32, #tpu.memory_space<hbm>>
      %dma_start3A_409 = tpu.memref_slice %arg7[%dma_start3A_398] : memref<10x!tpu.dma_semaphore, #tpu.memory_space<semaphore_mem>> -> memref<1x!tpu.dma_semaphore, #tpu.memory_space<semaphore_mem>>
      %dma_start3A_410 = tpu.memref_squeeze %dma_start3A_409 : memref<1x!tpu.dma_semaphore, #tpu.memory_space<semaphore_mem>> -> memref<!tpu.dma_semaphore, #tpu.memory_space<semaphore_mem>>
      tpu.enqueue_indirect_dma source(%dma_start3A_408 : memref<1000000x64xf32, #tpu.memory_space<hbm>>) target(%dma_start3A_402 : memref<128x64xf32, #tpu.memory_space<vmem>>) offsets(%dma_start3A_405 : memref<128xi32, #tpu.memory_space<vmem>>) semaphore(%dma_start3A_410 : memref<!tpu.dma_semaphore, #tpu.memory_space<semaphore_mem>>)
      %dma_wait3A_411 = arith.constant 2 : i32
      %dma_wait3A_412 = arith.constant 2 : i32
      %dma_wait3A_413 = arith.constant 0 : i32
      %dma_wait3A_414 = arith.constant 0 : i32
      %dma_wait3A_415 = tpu.memref_slice %arg6[%dma_wait3A_411, %dma_wait3A_413, %dma_wait3A_414] : memref<10x128x64xf32, #tpu.memory_space<vmem>> -> memref<1x128x64xf32, #tpu.memory_space<vmem>>
      %dma_wait3A_416 = tpu.memref_squeeze %dma_wait3A_415 : memref<1x128x64xf32, #tpu.memory_space<vmem>> -> memref<128x64xf32, #tpu.memory_space<vmem>>
      %dma_wait3A_417 = arith.constant 0 : i32
      %dma_wait3A_418 = arith.constant 0 : i32
      %dma_wait3A_419 = tpu.memref_slice %arg2[%dma_wait3A_417, %dma_wait3A_418] : memref<1000000x64xf32, #tpu.memory_space<hbm>> -> memref<128x64xf32, #tpu.memory_space<hbm>>
      %dma_wait3A_420 = tpu.memref_slice %arg7[%dma_wait3A_412] : memref<10x!tpu.dma_semaphore, #tpu.memory_space<semaphore_mem>> -> memref<1x!tpu.dma_semaphore, #tpu.memory_space<semaphore_mem>>
      %dma_wait3A_421 = tpu.memref_squeeze %dma_wait3A_420 : memref<1x!tpu.dma_semaphore, #tpu.memory_space<semaphore_mem>> -> memref<!tpu.dma_semaphore, #tpu.memory_space<semaphore_mem>>
      %dma_wait3A_422 = arith.constant 0 : i32
      %dma_wait3A_423 = arith.constant 0 : i32
      %dma_wait3A_424 = tpu.memref_slice %arg6[%dma_wait3A_411, %dma_wait3A_422, %dma_wait3A_423] : memref<10x128x64xf32, #tpu.memory_space<vmem>> -> memref<1x128x64xf32, #tpu.memory_space<vmem>>
      %dma_wait3A_425 = tpu.memref_squeeze %dma_wait3A_424 : memref<1x128x64xf32, #tpu.memory_space<vmem>> -> memref<128x64xf32, #tpu.memory_space<vmem>>
      %dma_wait3A_426 = arith.constant 0 : i32
      %dma_wait3A_427 = arith.constant 0 : i32
      %dma_wait3A_428 = tpu.memref_slice %arg2[%dma_wait3A_426, %dma_wait3A_427] : memref<1000000x64xf32, #tpu.memory_space<hbm>> -> memref<128x64xf32, #tpu.memory_space<hbm>>
      tpu.wait_dma2 semaphore(%dma_wait3A_421 : memref<!tpu.dma_semaphore, #tpu.memory_space<semaphore_mem>>) src(%dma_wait3A_428 : memref<128x64xf32, #tpu.memory_space<hbm>>) dst(%dma_wait3A_425 : memref<128x64xf32, #tpu.memory_space<vmem>>)
      %mul3A_429 = arith.constant 10 : i32
      %mul3A_430 = arith.muli %scan3A_256, %mul3A_429 : i32
      %add3A_431 = arith.constant 2 : i32
      %add3A_432 = arith.addi %mul3A_430, %add3A_431 : i32
      %mul3A_433 = arith.constant 128 : i32
      %mul3A_434 = arith.muli %add3A_432, %mul3A_433 : i32
      %add3A_435 = arith.addi %mul3A_2, %mul3A_434 : i32
      %dma_start3A_436 = arith.constant 2 : i32
      %dma_start3A_437 = arith.constant 2 : i32
      %dma_start3A_438 = arith.constant 0 : i32
      %dma_start3A_439 = arith.constant 0 : i32
      %dma_start3A_440 = tpu.memref_slice %arg6[%dma_start3A_436, %dma_start3A_438, %dma_start3A_439] : memref<10x128x64xf32, #tpu.memory_space<vmem>> -> memref<1x128x64xf32, #tpu.memory_space<vmem>>
      %dma_start3A_441 = tpu.memref_squeeze %dma_start3A_440 : memref<1x128x64xf32, #tpu.memory_space<vmem>> -> memref<128x64xf32, #tpu.memory_space<vmem>>
      %dma_start3A_442 = arith.constant 0 : i32
      %dma_start3A_443 = tpu.memref_slice %arg4[%add3A_435, %dma_start3A_442] : memref<327680x64xf32, #tpu.memory_space<hbm>> -> memref<128x64xf32, #tpu.memory_space<hbm>>
      %dma_start3A_444 = tpu.memref_slice %arg8[%dma_start3A_437] : memref<10x!tpu.dma_semaphore, #tpu.memory_space<semaphore_mem>> -> memref<1x!tpu.dma_semaphore, #tpu.memory_space<semaphore_mem>>
      %dma_start3A_445 = tpu.memref_squeeze %dma_start3A_444 : memref<1x!tpu.dma_semaphore, #tpu.memory_space<semaphore_mem>> -> memref<!tpu.dma_semaphore, #tpu.memory_space<semaphore_mem>>
      %dma_start3A_446 = arith.constant 0 : i32
      %dma_start3A_447 = tpu.memref_slice %arg4[%add3A_435, %dma_start3A_446] : memref<327680x64xf32, #tpu.memory_space<hbm>> -> memref<128x64xf32, #tpu.memory_space<hbm>>
      %dma_start3A_448 = arith.constant 0 : i32
      %dma_start3A_449 = arith.constant 0 : i32
      %dma_start3A_450 = tpu.memref_slice %arg6[%dma_start3A_436, %dma_start3A_448, %dma_start3A_449] : memref<10x128x64xf32, #tpu.memory_space<vmem>> -> memref<1x128x64xf32, #tpu.memory_space<vmem>>
      %dma_start3A_451 = tpu.memref_squeeze %dma_start3A_450 : memref<1x128x64xf32, #tpu.memory_space<vmem>> -> memref<128x64xf32, #tpu.memory_space<vmem>>
      tpu.enqueue_dma source(%dma_start3A_451 : memref<128x64xf32, #tpu.memory_space<vmem>>) target(%dma_start3A_447 : memref<128x64xf32, #tpu.memory_space<hbm>>) target_semaphore(%dma_start3A_445 : memref<!tpu.dma_semaphore, #tpu.memory_space<semaphore_mem>>)
      %gt3A_452 = arith.constant 0 : i32
      %gt3A_453 = arith.cmpi sgt, %scan3A_256, %gt3A_452 : i32
      %convert_element_type3A_454 = arith.extui %gt3A_453 : i1 to i32
      %cond3A_455 = arith.constant 0 : i32
      %cond3A_456 = arith.cmpi ne, %convert_element_type3A_454, %cond3A_455 : i32
      scf.if %cond3A_456 {
        %dma_wait3A_793 = arith.constant 9 : i32
        %dma_wait3A_794 = arith.constant 9 : i32
        %dma_wait3A_795 = arith.constant 0 : i32
        %dma_wait3A_796 = arith.constant 0 : i32
        %dma_wait3A_797 = tpu.memref_slice %arg6[%dma_wait3A_793, %dma_wait3A_795, %dma_wait3A_796] : memref<10x128x64xf32, #tpu.memory_space<vmem>> -> memref<1x128x64xf32, #tpu.memory_space<vmem>>
        %dma_wait3A_798 = tpu.memref_squeeze %dma_wait3A_797 : memref<1x128x64xf32, #tpu.memory_space<vmem>> -> memref<128x64xf32, #tpu.memory_space<vmem>>
        %dma_wait3A_799 = arith.constant 0 : i32
        %dma_wait3A_800 = tpu.memref_slice %arg4[%mul3A_2, %dma_wait3A_799] : memref<327680x64xf32, #tpu.memory_space<hbm>> -> memref<128x64xf32, #tpu.memory_space<hbm>>
        %dma_wait3A_801 = tpu.memref_slice %arg8[%dma_wait3A_794] : memref<10x!tpu.dma_semaphore, #tpu.memory_space<semaphore_mem>> -> memref<1x!tpu.dma_semaphore, #tpu.memory_space<semaphore_mem>>
        %dma_wait3A_802 = tpu.memref_squeeze %dma_wait3A_801 : memref<1x!tpu.dma_semaphore, #tpu.memory_space<semaphore_mem>> -> memref<!tpu.dma_semaphore, #tpu.memory_space<semaphore_mem>>
        %dma_wait3A_803 = arith.constant 0 : i32
        %dma_wait3A_804 = tpu.memref_slice %arg4[%mul3A_2, %dma_wait3A_803] : memref<327680x64xf32, #tpu.memory_space<hbm>> -> memref<128x64xf32, #tpu.memory_space<hbm>>
        %dma_wait3A_805 = arith.constant 0 : i32
        %dma_wait3A_806 = arith.constant 0 : i32
        %dma_wait3A_807 = tpu.memref_slice %arg6[%dma_wait3A_793, %dma_wait3A_805, %dma_wait3A_806] : memref<10x128x64xf32, #tpu.memory_space<vmem>> -> memref<1x128x64xf32, #tpu.memory_space<vmem>>
        %dma_wait3A_808 = tpu.memref_squeeze %dma_wait3A_807 : memref<1x128x64xf32, #tpu.memory_space<vmem>> -> memref<128x64xf32, #tpu.memory_space<vmem>>
        tpu.wait_dma2 semaphore(%dma_wait3A_802 : memref<!tpu.dma_semaphore, #tpu.memory_space<semaphore_mem>>) src(%dma_wait3A_808 : memref<128x64xf32, #tpu.memory_space<vmem>>) dst(%dma_wait3A_804 : memref<128x64xf32, #tpu.memory_space<hbm>>)
      } else {
      }
      %mul3A_457 = arith.constant 10 : i32
      %mul3A_458 = arith.muli %scan3A_256, %mul3A_457 : i32
      %add3A_459 = arith.constant 3 : i32
      %add3A_460 = arith.addi %mul3A_458, %add3A_459 : i32
      %add3A_461 = arith.constant 6 : i32
      %add3A_462 = arith.addi %add3A_460, %add3A_461 : i32
      %dma_start3A_463 = arith.constant 9 : i32
      %dma_start3A_464 = arith.constant 9 : i32
      %dma_start3A_465 = arith.constant 0 : i32
      %dma_start3A_466 = arith.constant 0 : i32
      %dma_start3A_467 = tpu.memref_slice %arg6[%dma_start3A_463, %dma_start3A_465, %dma_start3A_466] : memref<10x128x64xf32, #tpu.memory_space<vmem>> -> memref<1x128x64xf32, #tpu.memory_space<vmem>>
      %dma_start3A_468 = tpu.memref_squeeze %dma_start3A_467 : memref<1x128x64xf32, #tpu.memory_space<vmem>> -> memref<128x64xf32, #tpu.memory_space<vmem>>
      %dma_start3A_469 = arith.constant 0 : i32
      %dma_start3A_470 = tpu.memref_slice %arg5[%add3A_462, %dma_start3A_469] : memref<80x128xi32, #tpu.memory_space<vmem>> -> memref<1x128xi32, #tpu.memory_space<vmem>>
      %dma_start3A_471 = tpu.memref_squeeze %dma_start3A_470 : memref<1x128xi32, #tpu.memory_space<vmem>> -> memref<128xi32, #tpu.memory_space<vmem>>
      %dma_start3A_472 = arith.constant 0 : i32
      %dma_start3A_473 = arith.constant 0 : i32
      %dma_start3A_474 = tpu.memref_slice %arg2[%dma_start3A_472, %dma_start3A_473] : memref<1000000x64xf32, #tpu.memory_space<hbm>> -> memref<1000000x64xf32, #tpu.memory_space<hbm>>
      %dma_start3A_475 = tpu.memref_slice %arg7[%dma_start3A_464] : memref<10x!tpu.dma_semaphore, #tpu.memory_space<semaphore_mem>> -> memref<1x!tpu.dma_semaphore, #tpu.memory_space<semaphore_mem>>
      %dma_start3A_476 = tpu.memref_squeeze %dma_start3A_475 : memref<1x!tpu.dma_semaphore, #tpu.memory_space<semaphore_mem>> -> memref<!tpu.dma_semaphore, #tpu.memory_space<semaphore_mem>>
      tpu.enqueue_indirect_dma source(%dma_start3A_474 : memref<1000000x64xf32, #tpu.memory_space<hbm>>) target(%dma_start3A_468 : memref<128x64xf32, #tpu.memory_space<vmem>>) offsets(%dma_start3A_471 : memref<128xi32, #tpu.memory_space<vmem>>) semaphore(%dma_start3A_476 : memref<!tpu.dma_semaphore, #tpu.memory_space<semaphore_mem>>)
      %dma_wait3A_477 = arith.constant 3 : i32
      %dma_wait3A_478 = arith.constant 3 : i32
      %dma_wait3A_479 = arith.constant 0 : i32
      %dma_wait3A_480 = arith.constant 0 : i32
      %dma_wait3A_481 = tpu.memref_slice %arg6[%dma_wait3A_477, %dma_wait3A_479, %dma_wait3A_480] : memref<10x128x64xf32, #tpu.memory_space<vmem>> -> memref<1x128x64xf32, #tpu.memory_space<vmem>>
      %dma_wait3A_482 = tpu.memref_squeeze %dma_wait3A_481 : memref<1x128x64xf32, #tpu.memory_space<vmem>> -> memref<128x64xf32, #tpu.memory_space<vmem>>
      %dma_wait3A_483 = arith.constant 0 : i32
      %dma_wait3A_484 = arith.constant 0 : i32
      %dma_wait3A_485 = tpu.memref_slice %arg2[%dma_wait3A_483, %dma_wait3A_484] : memref<1000000x64xf32, #tpu.memory_space<hbm>> -> memref<128x64xf32, #tpu.memory_space<hbm>>
      %dma_wait3A_486 = tpu.memref_slice %arg7[%dma_wait3A_478] : memref<10x!tpu.dma_semaphore, #tpu.memory_space<semaphore_mem>> -> memref<1x!tpu.dma_semaphore, #tpu.memory_space<semaphore_mem>>
      %dma_wait3A_487 = tpu.memref_squeeze %dma_wait3A_486 : memref<1x!tpu.dma_semaphore, #tpu.memory_space<semaphore_mem>> -> memref<!tpu.dma_semaphore, #tpu.memory_space<semaphore_mem>>
      %dma_wait3A_488 = arith.constant 0 : i32
      %dma_wait3A_489 = arith.constant 0 : i32
      %dma_wait3A_490 = tpu.memref_slice %arg6[%dma_wait3A_477, %dma_wait3A_488, %dma_wait3A_489] : memref<10x128x64xf32, #tpu.memory_space<vmem>> -> memref<1x128x64xf32, #tpu.memory_space<vmem>>
      %dma_wait3A_491 = tpu.memref_squeeze %dma_wait3A_490 : memref<1x128x64xf32, #tpu.memory_space<vmem>> -> memref<128x64xf32, #tpu.memory_space<vmem>>
      %dma_wait3A_492 = arith.constant 0 : i32
      %dma_wait3A_493 = arith.constant 0 : i32
      %dma_wait3A_494 = tpu.memref_slice %arg2[%dma_wait3A_492, %dma_wait3A_493] : memref<1000000x64xf32, #tpu.memory_space<hbm>> -> memref<128x64xf32, #tpu.memory_space<hbm>>
      tpu.wait_dma2 semaphore(%dma_wait3A_487 : memref<!tpu.dma_semaphore, #tpu.memory_space<semaphore_mem>>) src(%dma_wait3A_494 : memref<128x64xf32, #tpu.memory_space<hbm>>) dst(%dma_wait3A_491 : memref<128x64xf32, #tpu.memory_space<vmem>>)
      %mul3A_495 = arith.constant 10 : i32
      %mul3A_496 = arith.muli %scan3A_256, %mul3A_495 : i32
      %add3A_497 = arith.constant 3 : i32
      %add3A_498 = arith.addi %mul3A_496, %add3A_497 : i32
      %mul3A_499 = arith.constant 128 : i32
      %mul3A_500 = arith.muli %add3A_498, %mul3A_499 : i32
      %add3A_501 = arith.addi %mul3A_2, %mul3A_500 : i32
      %dma_start3A_502 = arith.constant 3 : i32
      %dma_start3A_503 = arith.constant 3 : i32
      %dma_start3A_504 = arith.constant 0 : i32
      %dma_start3A_505 = arith.constant 0 : i32
      %dma_start3A_506 = tpu.memref_slice %arg6[%dma_start3A_502, %dma_start3A_504, %dma_start3A_505] : memref<10x128x64xf32, #tpu.memory_space<vmem>> -> memref<1x128x64xf32, #tpu.memory_space<vmem>>
      %dma_start3A_507 = tpu.memref_squeeze %dma_start3A_506 : memref<1x128x64xf32, #tpu.memory_space<vmem>> -> memref<128x64xf32, #tpu.memory_space<vmem>>
      %dma_start3A_508 = arith.constant 0 : i32
      %dma_start3A_509 = tpu.memref_slice %arg4[%add3A_501, %dma_start3A_508] : memref<327680x64xf32, #tpu.memory_space<hbm>> -> memref<128x64xf32, #tpu.memory_space<hbm>>
      %dma_start3A_510 = tpu.memref_slice %arg8[%dma_start3A_503] : memref<10x!tpu.dma_semaphore, #tpu.memory_space<semaphore_mem>> -> memref<1x!tpu.dma_semaphore, #tpu.memory_space<semaphore_mem>>
      %dma_start3A_511 = tpu.memref_squeeze %dma_start3A_510 : memref<1x!tpu.dma_semaphore, #tpu.memory_space<semaphore_mem>> -> memref<!tpu.dma_semaphore, #tpu.memory_space<semaphore_mem>>
      %dma_start3A_512 = arith.constant 0 : i32
      %dma_start3A_513 = tpu.memref_slice %arg4[%add3A_501, %dma_start3A_512] : memref<327680x64xf32, #tpu.memory_space<hbm>> -> memref<128x64xf32, #tpu.memory_space<hbm>>
      %dma_start3A_514 = arith.constant 0 : i32
      %dma_start3A_515 = arith.constant 0 : i32
      %dma_start3A_516 = tpu.memref_slice %arg6[%dma_start3A_502, %dma_start3A_514, %dma_start3A_515] : memref<10x128x64xf32, #tpu.memory_space<vmem>> -> memref<1x128x64xf32, #tpu.memory_space<vmem>>
      %dma_start3A_517 = tpu.memref_squeeze %dma_start3A_516 : memref<1x128x64xf32, #tpu.memory_space<vmem>> -> memref<128x64xf32, #tpu.memory_space<vmem>>
      tpu.enqueue_dma source(%dma_start3A_517 : memref<128x64xf32, #tpu.memory_space<vmem>>) target(%dma_start3A_513 : memref<128x64xf32, #tpu.memory_space<hbm>>) target_semaphore(%dma_start3A_511 : memref<!tpu.dma_semaphore, #tpu.memory_space<semaphore_mem>>)
      %lt3A = arith.constant 7 : i32
      %lt3A_518 = arith.cmpi slt, %scan3A_256, %lt3A : i32
      %convert_element_type3A_519 = arith.extui %lt3A_518 : i1 to i32
      %cond3A_520 = arith.constant 0 : i32
      %cond3A_521 = arith.cmpi ne, %convert_element_type3A_519, %cond3A_520 : i32
      scf.if %cond3A_521 {
        %dma_wait3A_793 = arith.constant 0 : i32
        %dma_wait3A_794 = arith.constant 0 : i32
        %dma_wait3A_795 = arith.constant 0 : i32
        %dma_wait3A_796 = arith.constant 0 : i32
        %dma_wait3A_797 = tpu.memref_slice %arg6[%dma_wait3A_793, %dma_wait3A_795, %dma_wait3A_796] : memref<10x128x64xf32, #tpu.memory_space<vmem>> -> memref<1x128x64xf32, #tpu.memory_space<vmem>>
        %dma_wait3A_798 = tpu.memref_squeeze %dma_wait3A_797 : memref<1x128x64xf32, #tpu.memory_space<vmem>> -> memref<128x64xf32, #tpu.memory_space<vmem>>
        %dma_wait3A_799 = arith.constant 0 : i32
        %dma_wait3A_800 = tpu.memref_slice %arg4[%mul3A_2, %dma_wait3A_799] : memref<327680x64xf32, #tpu.memory_space<hbm>> -> memref<128x64xf32, #tpu.memory_space<hbm>>
        %dma_wait3A_801 = tpu.memref_slice %arg8[%dma_wait3A_794] : memref<10x!tpu.dma_semaphore, #tpu.memory_space<semaphore_mem>> -> memref<1x!tpu.dma_semaphore, #tpu.memory_space<semaphore_mem>>
        %dma_wait3A_802 = tpu.memref_squeeze %dma_wait3A_801 : memref<1x!tpu.dma_semaphore, #tpu.memory_space<semaphore_mem>> -> memref<!tpu.dma_semaphore, #tpu.memory_space<semaphore_mem>>
        %dma_wait3A_803 = arith.constant 0 : i32
        %dma_wait3A_804 = tpu.memref_slice %arg4[%mul3A_2, %dma_wait3A_803] : memref<327680x64xf32, #tpu.memory_space<hbm>> -> memref<128x64xf32, #tpu.memory_space<hbm>>
        %dma_wait3A_805 = arith.constant 0 : i32
        %dma_wait3A_806 = arith.constant 0 : i32
        %dma_wait3A_807 = tpu.memref_slice %arg6[%dma_wait3A_793, %dma_wait3A_805, %dma_wait3A_806] : memref<10x128x64xf32, #tpu.memory_space<vmem>> -> memref<1x128x64xf32, #tpu.memory_space<vmem>>
        %dma_wait3A_808 = tpu.memref_squeeze %dma_wait3A_807 : memref<1x128x64xf32, #tpu.memory_space<vmem>> -> memref<128x64xf32, #tpu.memory_space<vmem>>
        tpu.wait_dma2 semaphore(%dma_wait3A_802 : memref<!tpu.dma_semaphore, #tpu.memory_space<semaphore_mem>>) src(%dma_wait3A_808 : memref<128x64xf32, #tpu.memory_space<vmem>>) dst(%dma_wait3A_804 : memref<128x64xf32, #tpu.memory_space<hbm>>)
        %mul3A_809 = arith.constant 10 : i32
        %mul3A_810 = arith.muli %scan3A_256, %mul3A_809 : i32
        %add3A_811 = arith.constant 4 : i32
        %add3A_812 = arith.addi %mul3A_810, %add3A_811 : i32
        %add3A_813 = arith.constant 6 : i32
        %add3A_814 = arith.addi %add3A_812, %add3A_813 : i32
        %dma_start3A_815 = arith.constant 0 : i32
        %dma_start3A_816 = arith.constant 0 : i32
        %dma_start3A_817 = arith.constant 0 : i32
        %dma_start3A_818 = arith.constant 0 : i32
        %dma_start3A_819 = tpu.memref_slice %arg6[%dma_start3A_815, %dma_start3A_817, %dma_start3A_818] : memref<10x128x64xf32, #tpu.memory_space<vmem>> -> memref<1x128x64xf32, #tpu.memory_space<vmem>>
        %dma_start3A_820 = tpu.memref_squeeze %dma_start3A_819 : memref<1x128x64xf32, #tpu.memory_space<vmem>> -> memref<128x64xf32, #tpu.memory_space<vmem>>
        %dma_start3A_821 = arith.constant 0 : i32
        %dma_start3A_822 = tpu.memref_slice %arg5[%add3A_814, %dma_start3A_821] : memref<80x128xi32, #tpu.memory_space<vmem>> -> memref<1x128xi32, #tpu.memory_space<vmem>>
        %dma_start3A_823 = tpu.memref_squeeze %dma_start3A_822 : memref<1x128xi32, #tpu.memory_space<vmem>> -> memref<128xi32, #tpu.memory_space<vmem>>
        %dma_start3A_824 = arith.constant 0 : i32
        %dma_start3A_825 = arith.constant 0 : i32
        %dma_start3A_826 = tpu.memref_slice %arg2[%dma_start3A_824, %dma_start3A_825] : memref<1000000x64xf32, #tpu.memory_space<hbm>> -> memref<1000000x64xf32, #tpu.memory_space<hbm>>
        %dma_start3A_827 = tpu.memref_slice %arg7[%dma_start3A_816] : memref<10x!tpu.dma_semaphore, #tpu.memory_space<semaphore_mem>> -> memref<1x!tpu.dma_semaphore, #tpu.memory_space<semaphore_mem>>
        %dma_start3A_828 = tpu.memref_squeeze %dma_start3A_827 : memref<1x!tpu.dma_semaphore, #tpu.memory_space<semaphore_mem>> -> memref<!tpu.dma_semaphore, #tpu.memory_space<semaphore_mem>>
        tpu.enqueue_indirect_dma source(%dma_start3A_826 : memref<1000000x64xf32, #tpu.memory_space<hbm>>) target(%dma_start3A_820 : memref<128x64xf32, #tpu.memory_space<vmem>>) offsets(%dma_start3A_823 : memref<128xi32, #tpu.memory_space<vmem>>) semaphore(%dma_start3A_828 : memref<!tpu.dma_semaphore, #tpu.memory_space<semaphore_mem>>)
      } else {
      }
      %dma_wait3A_522 = arith.constant 4 : i32
      %dma_wait3A_523 = arith.constant 4 : i32
      %dma_wait3A_524 = arith.constant 0 : i32
      %dma_wait3A_525 = arith.constant 0 : i32
      %dma_wait3A_526 = tpu.memref_slice %arg6[%dma_wait3A_522, %dma_wait3A_524, %dma_wait3A_525] : memref<10x128x64xf32, #tpu.memory_space<vmem>> -> memref<1x128x64xf32, #tpu.memory_space<vmem>>
      %dma_wait3A_527 = tpu.memref_squeeze %dma_wait3A_526 : memref<1x128x64xf32, #tpu.memory_space<vmem>> -> memref<128x64xf32, #tpu.memory_space<vmem>>
      %dma_wait3A_528 = arith.constant 0 : i32
      %dma_wait3A_529 = arith.constant 0 : i32
      %dma_wait3A_530 = tpu.memref_slice %arg2[%dma_wait3A_528, %dma_wait3A_529] : memref<1000000x64xf32, #tpu.memory_space<hbm>> -> memref<128x64xf32, #tpu.memory_space<hbm>>
      %dma_wait3A_531 = tpu.memref_slice %arg7[%dma_wait3A_523] : memref<10x!tpu.dma_semaphore, #tpu.memory_space<semaphore_mem>> -> memref<1x!tpu.dma_semaphore, #tpu.memory_space<semaphore_mem>>
      %dma_wait3A_532 = tpu.memref_squeeze %dma_wait3A_531 : memref<1x!tpu.dma_semaphore, #tpu.memory_space<semaphore_mem>> -> memref<!tpu.dma_semaphore, #tpu.memory_space<semaphore_mem>>
      %dma_wait3A_533 = arith.constant 0 : i32
      %dma_wait3A_534 = arith.constant 0 : i32
      %dma_wait3A_535 = tpu.memref_slice %arg6[%dma_wait3A_522, %dma_wait3A_533, %dma_wait3A_534] : memref<10x128x64xf32, #tpu.memory_space<vmem>> -> memref<1x128x64xf32, #tpu.memory_space<vmem>>
      %dma_wait3A_536 = tpu.memref_squeeze %dma_wait3A_535 : memref<1x128x64xf32, #tpu.memory_space<vmem>> -> memref<128x64xf32, #tpu.memory_space<vmem>>
      %dma_wait3A_537 = arith.constant 0 : i32
      %dma_wait3A_538 = arith.constant 0 : i32
      %dma_wait3A_539 = tpu.memref_slice %arg2[%dma_wait3A_537, %dma_wait3A_538] : memref<1000000x64xf32, #tpu.memory_space<hbm>> -> memref<128x64xf32, #tpu.memory_space<hbm>>
      tpu.wait_dma2 semaphore(%dma_wait3A_532 : memref<!tpu.dma_semaphore, #tpu.memory_space<semaphore_mem>>) src(%dma_wait3A_539 : memref<128x64xf32, #tpu.memory_space<hbm>>) dst(%dma_wait3A_536 : memref<128x64xf32, #tpu.memory_space<vmem>>)
      %mul3A_540 = arith.constant 10 : i32
      %mul3A_541 = arith.muli %scan3A_256, %mul3A_540 : i32
      %add3A_542 = arith.constant 4 : i32
      %add3A_543 = arith.addi %mul3A_541, %add3A_542 : i32
      %mul3A_544 = arith.constant 128 : i32
      %mul3A_545 = arith.muli %add3A_543, %mul3A_544 : i32
      %add3A_546 = arith.addi %mul3A_2, %mul3A_545 : i32
      %dma_start3A_547 = arith.constant 4 : i32
      %dma_start3A_548 = arith.constant 4 : i32
      %dma_start3A_549 = arith.constant 0 : i32
      %dma_start3A_550 = arith.constant 0 : i32
      %dma_start3A_551 = tpu.memref_slice %arg6[%dma_start3A_547, %dma_start3A_549, %dma_start3A_550] : memref<10x128x64xf32, #tpu.memory_space<vmem>> -> memref<1x128x64xf32, #tpu.memory_space<vmem>>
      %dma_start3A_552 = tpu.memref_squeeze %dma_start3A_551 : memref<1x128x64xf32, #tpu.memory_space<vmem>> -> memref<128x64xf32, #tpu.memory_space<vmem>>
      %dma_start3A_553 = arith.constant 0 : i32
      %dma_start3A_554 = tpu.memref_slice %arg4[%add3A_546, %dma_start3A_553] : memref<327680x64xf32, #tpu.memory_space<hbm>> -> memref<128x64xf32, #tpu.memory_space<hbm>>
      %dma_start3A_555 = tpu.memref_slice %arg8[%dma_start3A_548] : memref<10x!tpu.dma_semaphore, #tpu.memory_space<semaphore_mem>> -> memref<1x!tpu.dma_semaphore, #tpu.memory_space<semaphore_mem>>
      %dma_start3A_556 = tpu.memref_squeeze %dma_start3A_555 : memref<1x!tpu.dma_semaphore, #tpu.memory_space<semaphore_mem>> -> memref<!tpu.dma_semaphore, #tpu.memory_space<semaphore_mem>>
      %dma_start3A_557 = arith.constant 0 : i32
      %dma_start3A_558 = tpu.memref_slice %arg4[%add3A_546, %dma_start3A_557] : memref<327680x64xf32, #tpu.memory_space<hbm>> -> memref<128x64xf32, #tpu.memory_space<hbm>>
      %dma_start3A_559 = arith.constant 0 : i32
      %dma_start3A_560 = arith.constant 0 : i32
      %dma_start3A_561 = tpu.memref_slice %arg6[%dma_start3A_547, %dma_start3A_559, %dma_start3A_560] : memref<10x128x64xf32, #tpu.memory_space<vmem>> -> memref<1x128x64xf32, #tpu.memory_space<vmem>>
      %dma_start3A_562 = tpu.memref_squeeze %dma_start3A_561 : memref<1x128x64xf32, #tpu.memory_space<vmem>> -> memref<128x64xf32, #tpu.memory_space<vmem>>
      tpu.enqueue_dma source(%dma_start3A_562 : memref<128x64xf32, #tpu.memory_space<vmem>>) target(%dma_start3A_558 : memref<128x64xf32, #tpu.memory_space<hbm>>) target_semaphore(%dma_start3A_556 : memref<!tpu.dma_semaphore, #tpu.memory_space<semaphore_mem>>)
      %lt3A_563 = arith.constant 7 : i32
      %lt3A_564 = arith.cmpi slt, %scan3A_256, %lt3A_563 : i32
      %convert_element_type3A_565 = arith.extui %lt3A_564 : i1 to i32
      %cond3A_566 = arith.constant 0 : i32
      %cond3A_567 = arith.cmpi ne, %convert_element_type3A_565, %cond3A_566 : i32
      scf.if %cond3A_567 {
        %dma_wait3A_793 = arith.constant 1 : i32
        %dma_wait3A_794 = arith.constant 1 : i32
        %dma_wait3A_795 = arith.constant 0 : i32
        %dma_wait3A_796 = arith.constant 0 : i32
        %dma_wait3A_797 = tpu.memref_slice %arg6[%dma_wait3A_793, %dma_wait3A_795, %dma_wait3A_796] : memref<10x128x64xf32, #tpu.memory_space<vmem>> -> memref<1x128x64xf32, #tpu.memory_space<vmem>>
        %dma_wait3A_798 = tpu.memref_squeeze %dma_wait3A_797 : memref<1x128x64xf32, #tpu.memory_space<vmem>> -> memref<128x64xf32, #tpu.memory_space<vmem>>
        %dma_wait3A_799 = arith.constant 0 : i32
        %dma_wait3A_800 = tpu.memref_slice %arg4[%mul3A_2, %dma_wait3A_799] : memref<327680x64xf32, #tpu.memory_space<hbm>> -> memref<128x64xf32, #tpu.memory_space<hbm>>
        %dma_wait3A_801 = tpu.memref_slice %arg8[%dma_wait3A_794] : memref<10x!tpu.dma_semaphore, #tpu.memory_space<semaphore_mem>> -> memref<1x!tpu.dma_semaphore, #tpu.memory_space<semaphore_mem>>
        %dma_wait3A_802 = tpu.memref_squeeze %dma_wait3A_801 : memref<1x!tpu.dma_semaphore, #tpu.memory_space<semaphore_mem>> -> memref<!tpu.dma_semaphore, #tpu.memory_space<semaphore_mem>>
        %dma_wait3A_803 = arith.constant 0 : i32
        %dma_wait3A_804 = tpu.memref_slice %arg4[%mul3A_2, %dma_wait3A_803] : memref<327680x64xf32, #tpu.memory_space<hbm>> -> memref<128x64xf32, #tpu.memory_space<hbm>>
        %dma_wait3A_805 = arith.constant 0 : i32
        %dma_wait3A_806 = arith.constant 0 : i32
        %dma_wait3A_807 = tpu.memref_slice %arg6[%dma_wait3A_793, %dma_wait3A_805, %dma_wait3A_806] : memref<10x128x64xf32, #tpu.memory_space<vmem>> -> memref<1x128x64xf32, #tpu.memory_space<vmem>>
        %dma_wait3A_808 = tpu.memref_squeeze %dma_wait3A_807 : memref<1x128x64xf32, #tpu.memory_space<vmem>> -> memref<128x64xf32, #tpu.memory_space<vmem>>
        tpu.wait_dma2 semaphore(%dma_wait3A_802 : memref<!tpu.dma_semaphore, #tpu.memory_space<semaphore_mem>>) src(%dma_wait3A_808 : memref<128x64xf32, #tpu.memory_space<vmem>>) dst(%dma_wait3A_804 : memref<128x64xf32, #tpu.memory_space<hbm>>)
        %mul3A_809 = arith.constant 10 : i32
        %mul3A_810 = arith.muli %scan3A_256, %mul3A_809 : i32
        %add3A_811 = arith.constant 5 : i32
        %add3A_812 = arith.addi %mul3A_810, %add3A_811 : i32
        %add3A_813 = arith.constant 6 : i32
        %add3A_814 = arith.addi %add3A_812, %add3A_813 : i32
        %dma_start3A_815 = arith.constant 1 : i32
        %dma_start3A_816 = arith.constant 1 : i32
        %dma_start3A_817 = arith.constant 0 : i32
        %dma_start3A_818 = arith.constant 0 : i32
        %dma_start3A_819 = tpu.memref_slice %arg6[%dma_start3A_815, %dma_start3A_817, %dma_start3A_818] : memref<10x128x64xf32, #tpu.memory_space<vmem>> -> memref<1x128x64xf32, #tpu.memory_space<vmem>>
        %dma_start3A_820 = tpu.memref_squeeze %dma_start3A_819 : memref<1x128x64xf32, #tpu.memory_space<vmem>> -> memref<128x64xf32, #tpu.memory_space<vmem>>
        %dma_start3A_821 = arith.constant 0 : i32
        %dma_start3A_822 = tpu.memref_slice %arg5[%add3A_814, %dma_start3A_821] : memref<80x128xi32, #tpu.memory_space<vmem>> -> memref<1x128xi32, #tpu.memory_space<vmem>>
        %dma_start3A_823 = tpu.memref_squeeze %dma_start3A_822 : memref<1x128xi32, #tpu.memory_space<vmem>> -> memref<128xi32, #tpu.memory_space<vmem>>
        %dma_start3A_824 = arith.constant 0 : i32
        %dma_start3A_825 = arith.constant 0 : i32
        %dma_start3A_826 = tpu.memref_slice %arg2[%dma_start3A_824, %dma_start3A_825] : memref<1000000x64xf32, #tpu.memory_space<hbm>> -> memref<1000000x64xf32, #tpu.memory_space<hbm>>
        %dma_start3A_827 = tpu.memref_slice %arg7[%dma_start3A_816] : memref<10x!tpu.dma_semaphore, #tpu.memory_space<semaphore_mem>> -> memref<1x!tpu.dma_semaphore, #tpu.memory_space<semaphore_mem>>
        %dma_start3A_828 = tpu.memref_squeeze %dma_start3A_827 : memref<1x!tpu.dma_semaphore, #tpu.memory_space<semaphore_mem>> -> memref<!tpu.dma_semaphore, #tpu.memory_space<semaphore_mem>>
        tpu.enqueue_indirect_dma source(%dma_start3A_826 : memref<1000000x64xf32, #tpu.memory_space<hbm>>) target(%dma_start3A_820 : memref<128x64xf32, #tpu.memory_space<vmem>>) offsets(%dma_start3A_823 : memref<128xi32, #tpu.memory_space<vmem>>) semaphore(%dma_start3A_828 : memref<!tpu.dma_semaphore, #tpu.memory_space<semaphore_mem>>)
      } else {
      }
      %dma_wait3A_568 = arith.constant 5 : i32
      %dma_wait3A_569 = arith.constant 5 : i32
      %dma_wait3A_570 = arith.constant 0 : i32
      %dma_wait3A_571 = arith.constant 0 : i32
      %dma_wait3A_572 = tpu.memref_slice %arg6[%dma_wait3A_568, %dma_wait3A_570, %dma_wait3A_571] : memref<10x128x64xf32, #tpu.memory_space<vmem>> -> memref<1x128x64xf32, #tpu.memory_space<vmem>>
      %dma_wait3A_573 = tpu.memref_squeeze %dma_wait3A_572 : memref<1x128x64xf32, #tpu.memory_space<vmem>> -> memref<128x64xf32, #tpu.memory_space<vmem>>
      %dma_wait3A_574 = arith.constant 0 : i32
      %dma_wait3A_575 = arith.constant 0 : i32
      %dma_wait3A_576 = tpu.memref_slice %arg2[%dma_wait3A_574, %dma_wait3A_575] : memref<1000000x64xf32, #tpu.memory_space<hbm>> -> memref<128x64xf32, #tpu.memory_space<hbm>>
      %dma_wait3A_577 = tpu.memref_slice %arg7[%dma_wait3A_569] : memref<10x!tpu.dma_semaphore, #tpu.memory_space<semaphore_mem>> -> memref<1x!tpu.dma_semaphore, #tpu.memory_space<semaphore_mem>>
      %dma_wait3A_578 = tpu.memref_squeeze %dma_wait3A_577 : memref<1x!tpu.dma_semaphore, #tpu.memory_space<semaphore_mem>> -> memref<!tpu.dma_semaphore, #tpu.memory_space<semaphore_mem>>
      %dma_wait3A_579 = arith.constant 0 : i32
      %dma_wait3A_580 = arith.constant 0 : i32
      %dma_wait3A_581 = tpu.memref_slice %arg6[%dma_wait3A_568, %dma_wait3A_579, %dma_wait3A_580] : memref<10x128x64xf32, #tpu.memory_space<vmem>> -> memref<1x128x64xf32, #tpu.memory_space<vmem>>
      %dma_wait3A_582 = tpu.memref_squeeze %dma_wait3A_581 : memref<1x128x64xf32, #tpu.memory_space<vmem>> -> memref<128x64xf32, #tpu.memory_space<vmem>>
      %dma_wait3A_583 = arith.constant 0 : i32
      %dma_wait3A_584 = arith.constant 0 : i32
      %dma_wait3A_585 = tpu.memref_slice %arg2[%dma_wait3A_583, %dma_wait3A_584] : memref<1000000x64xf32, #tpu.memory_space<hbm>> -> memref<128x64xf32, #tpu.memory_space<hbm>>
      tpu.wait_dma2 semaphore(%dma_wait3A_578 : memref<!tpu.dma_semaphore, #tpu.memory_space<semaphore_mem>>) src(%dma_wait3A_585 : memref<128x64xf32, #tpu.memory_space<hbm>>) dst(%dma_wait3A_582 : memref<128x64xf32, #tpu.memory_space<vmem>>)
      %mul3A_586 = arith.constant 10 : i32
      %mul3A_587 = arith.muli %scan3A_256, %mul3A_586 : i32
      %add3A_588 = arith.constant 5 : i32
      %add3A_589 = arith.addi %mul3A_587, %add3A_588 : i32
      %mul3A_590 = arith.constant 128 : i32
      %mul3A_591 = arith.muli %add3A_589, %mul3A_590 : i32
      %add3A_592 = arith.addi %mul3A_2, %mul3A_591 : i32
      %dma_start3A_593 = arith.constant 5 : i32
      %dma_start3A_594 = arith.constant 5 : i32
      %dma_start3A_595 = arith.constant 0 : i32
      %dma_start3A_596 = arith.constant 0 : i32
      %dma_start3A_597 = tpu.memref_slice %arg6[%dma_start3A_593, %dma_start3A_595, %dma_start3A_596] : memref<10x128x64xf32, #tpu.memory_space<vmem>> -> memref<1x128x64xf32, #tpu.memory_space<vmem>>
      %dma_start3A_598 = tpu.memref_squeeze %dma_start3A_597 : memref<1x128x64xf32, #tpu.memory_space<vmem>> -> memref<128x64xf32, #tpu.memory_space<vmem>>
      %dma_start3A_599 = arith.constant 0 : i32
      %dma_start3A_600 = tpu.memref_slice %arg4[%add3A_592, %dma_start3A_599] : memref<327680x64xf32, #tpu.memory_space<hbm>> -> memref<128x64xf32, #tpu.memory_space<hbm>>
      %dma_start3A_601 = tpu.memref_slice %arg8[%dma_start3A_594] : memref<10x!tpu.dma_semaphore, #tpu.memory_space<semaphore_mem>> -> memref<1x!tpu.dma_semaphore, #tpu.memory_space<semaphore_mem>>
      %dma_start3A_602 = tpu.memref_squeeze %dma_start3A_601 : memref<1x!tpu.dma_semaphore, #tpu.memory_space<semaphore_mem>> -> memref<!tpu.dma_semaphore, #tpu.memory_space<semaphore_mem>>
      %dma_start3A_603 = arith.constant 0 : i32
      %dma_start3A_604 = tpu.memref_slice %arg4[%add3A_592, %dma_start3A_603] : memref<327680x64xf32, #tpu.memory_space<hbm>> -> memref<128x64xf32, #tpu.memory_space<hbm>>
      %dma_start3A_605 = arith.constant 0 : i32
      %dma_start3A_606 = arith.constant 0 : i32
      %dma_start3A_607 = tpu.memref_slice %arg6[%dma_start3A_593, %dma_start3A_605, %dma_start3A_606] : memref<10x128x64xf32, #tpu.memory_space<vmem>> -> memref<1x128x64xf32, #tpu.memory_space<vmem>>
      %dma_start3A_608 = tpu.memref_squeeze %dma_start3A_607 : memref<1x128x64xf32, #tpu.memory_space<vmem>> -> memref<128x64xf32, #tpu.memory_space<vmem>>
      tpu.enqueue_dma source(%dma_start3A_608 : memref<128x64xf32, #tpu.memory_space<vmem>>) target(%dma_start3A_604 : memref<128x64xf32, #tpu.memory_space<hbm>>) target_semaphore(%dma_start3A_602 : memref<!tpu.dma_semaphore, #tpu.memory_space<semaphore_mem>>)
      %lt3A_609 = arith.constant 7 : i32
      %lt3A_610 = arith.cmpi slt, %scan3A_256, %lt3A_609 : i32
      %convert_element_type3A_611 = arith.extui %lt3A_610 : i1 to i32
      %cond3A_612 = arith.constant 0 : i32
      %cond3A_613 = arith.cmpi ne, %convert_element_type3A_611, %cond3A_612 : i32
      scf.if %cond3A_613 {
        %dma_wait3A_793 = arith.constant 2 : i32
        %dma_wait3A_794 = arith.constant 2 : i32
        %dma_wait3A_795 = arith.constant 0 : i32
        %dma_wait3A_796 = arith.constant 0 : i32
        %dma_wait3A_797 = tpu.memref_slice %arg6[%dma_wait3A_793, %dma_wait3A_795, %dma_wait3A_796] : memref<10x128x64xf32, #tpu.memory_space<vmem>> -> memref<1x128x64xf32, #tpu.memory_space<vmem>>
        %dma_wait3A_798 = tpu.memref_squeeze %dma_wait3A_797 : memref<1x128x64xf32, #tpu.memory_space<vmem>> -> memref<128x64xf32, #tpu.memory_space<vmem>>
        %dma_wait3A_799 = arith.constant 0 : i32
        %dma_wait3A_800 = tpu.memref_slice %arg4[%mul3A_2, %dma_wait3A_799] : memref<327680x64xf32, #tpu.memory_space<hbm>> -> memref<128x64xf32, #tpu.memory_space<hbm>>
        %dma_wait3A_801 = tpu.memref_slice %arg8[%dma_wait3A_794] : memref<10x!tpu.dma_semaphore, #tpu.memory_space<semaphore_mem>> -> memref<1x!tpu.dma_semaphore, #tpu.memory_space<semaphore_mem>>
        %dma_wait3A_802 = tpu.memref_squeeze %dma_wait3A_801 : memref<1x!tpu.dma_semaphore, #tpu.memory_space<semaphore_mem>> -> memref<!tpu.dma_semaphore, #tpu.memory_space<semaphore_mem>>
        %dma_wait3A_803 = arith.constant 0 : i32
        %dma_wait3A_804 = tpu.memref_slice %arg4[%mul3A_2, %dma_wait3A_803] : memref<327680x64xf32, #tpu.memory_space<hbm>> -> memref<128x64xf32, #tpu.memory_space<hbm>>
        %dma_wait3A_805 = arith.constant 0 : i32
        %dma_wait3A_806 = arith.constant 0 : i32
        %dma_wait3A_807 = tpu.memref_slice %arg6[%dma_wait3A_793, %dma_wait3A_805, %dma_wait3A_806] : memref<10x128x64xf32, #tpu.memory_space<vmem>> -> memref<1x128x64xf32, #tpu.memory_space<vmem>>
        %dma_wait3A_808 = tpu.memref_squeeze %dma_wait3A_807 : memref<1x128x64xf32, #tpu.memory_space<vmem>> -> memref<128x64xf32, #tpu.memory_space<vmem>>
        tpu.wait_dma2 semaphore(%dma_wait3A_802 : memref<!tpu.dma_semaphore, #tpu.memory_space<semaphore_mem>>) src(%dma_wait3A_808 : memref<128x64xf32, #tpu.memory_space<vmem>>) dst(%dma_wait3A_804 : memref<128x64xf32, #tpu.memory_space<hbm>>)
        %mul3A_809 = arith.constant 10 : i32
        %mul3A_810 = arith.muli %scan3A_256, %mul3A_809 : i32
        %add3A_811 = arith.constant 6 : i32
        %add3A_812 = arith.addi %mul3A_810, %add3A_811 : i32
        %add3A_813 = arith.constant 6 : i32
        %add3A_814 = arith.addi %add3A_812, %add3A_813 : i32
        %dma_start3A_815 = arith.constant 2 : i32
        %dma_start3A_816 = arith.constant 2 : i32
        %dma_start3A_817 = arith.constant 0 : i32
        %dma_start3A_818 = arith.constant 0 : i32
        %dma_start3A_819 = tpu.memref_slice %arg6[%dma_start3A_815, %dma_start3A_817, %dma_start3A_818] : memref<10x128x64xf32, #tpu.memory_space<vmem>> -> memref<1x128x64xf32, #tpu.memory_space<vmem>>
        %dma_start3A_820 = tpu.memref_squeeze %dma_start3A_819 : memref<1x128x64xf32, #tpu.memory_space<vmem>> -> memref<128x64xf32, #tpu.memory_space<vmem>>
        %dma_start3A_821 = arith.constant 0 : i32
        %dma_start3A_822 = tpu.memref_slice %arg5[%add3A_814, %dma_start3A_821] : memref<80x128xi32, #tpu.memory_space<vmem>> -> memref<1x128xi32, #tpu.memory_space<vmem>>
        %dma_start3A_823 = tpu.memref_squeeze %dma_start3A_822 : memref<1x128xi32, #tpu.memory_space<vmem>> -> memref<128xi32, #tpu.memory_space<vmem>>
        %dma_start3A_824 = arith.constant 0 : i32
        %dma_start3A_825 = arith.constant 0 : i32
        %dma_start3A_826 = tpu.memref_slice %arg2[%dma_start3A_824, %dma_start3A_825] : memref<1000000x64xf32, #tpu.memory_space<hbm>> -> memref<1000000x64xf32, #tpu.memory_space<hbm>>
        %dma_start3A_827 = tpu.memref_slice %arg7[%dma_start3A_816] : memref<10x!tpu.dma_semaphore, #tpu.memory_space<semaphore_mem>> -> memref<1x!tpu.dma_semaphore, #tpu.memory_space<semaphore_mem>>
        %dma_start3A_828 = tpu.memref_squeeze %dma_start3A_827 : memref<1x!tpu.dma_semaphore, #tpu.memory_space<semaphore_mem>> -> memref<!tpu.dma_semaphore, #tpu.memory_space<semaphore_mem>>
        tpu.enqueue_indirect_dma source(%dma_start3A_826 : memref<1000000x64xf32, #tpu.memory_space<hbm>>) target(%dma_start3A_820 : memref<128x64xf32, #tpu.memory_space<vmem>>) offsets(%dma_start3A_823 : memref<128xi32, #tpu.memory_space<vmem>>) semaphore(%dma_start3A_828 : memref<!tpu.dma_semaphore, #tpu.memory_space<semaphore_mem>>)
      } else {
      }
      %dma_wait3A_614 = arith.constant 6 : i32
      %dma_wait3A_615 = arith.constant 6 : i32
      %dma_wait3A_616 = arith.constant 0 : i32
      %dma_wait3A_617 = arith.constant 0 : i32
      %dma_wait3A_618 = tpu.memref_slice %arg6[%dma_wait3A_614, %dma_wait3A_616, %dma_wait3A_617] : memref<10x128x64xf32, #tpu.memory_space<vmem>> -> memref<1x128x64xf32, #tpu.memory_space<vmem>>
      %dma_wait3A_619 = tpu.memref_squeeze %dma_wait3A_618 : memref<1x128x64xf32, #tpu.memory_space<vmem>> -> memref<128x64xf32, #tpu.memory_space<vmem>>
      %dma_wait3A_620 = arith.constant 0 : i32
      %dma_wait3A_621 = arith.constant 0 : i32
      %dma_wait3A_622 = tpu.memref_slice %arg2[%dma_wait3A_620, %dma_wait3A_621] : memref<1000000x64xf32, #tpu.memory_space<hbm>> -> memref<128x64xf32, #tpu.memory_space<hbm>>
      %dma_wait3A_623 = tpu.memref_slice %arg7[%dma_wait3A_615] : memref<10x!tpu.dma_semaphore, #tpu.memory_space<semaphore_mem>> -> memref<1x!tpu.dma_semaphore, #tpu.memory_space<semaphore_mem>>
      %dma_wait3A_624 = tpu.memref_squeeze %dma_wait3A_623 : memref<1x!tpu.dma_semaphore, #tpu.memory_space<semaphore_mem>> -> memref<!tpu.dma_semaphore, #tpu.memory_space<semaphore_mem>>
      %dma_wait3A_625 = arith.constant 0 : i32
      %dma_wait3A_626 = arith.constant 0 : i32
      %dma_wait3A_627 = tpu.memref_slice %arg6[%dma_wait3A_614, %dma_wait3A_625, %dma_wait3A_626] : memref<10x128x64xf32, #tpu.memory_space<vmem>> -> memref<1x128x64xf32, #tpu.memory_space<vmem>>
      %dma_wait3A_628 = tpu.memref_squeeze %dma_wait3A_627 : memref<1x128x64xf32, #tpu.memory_space<vmem>> -> memref<128x64xf32, #tpu.memory_space<vmem>>
      %dma_wait3A_629 = arith.constant 0 : i32
      %dma_wait3A_630 = arith.constant 0 : i32
      %dma_wait3A_631 = tpu.memref_slice %arg2[%dma_wait3A_629, %dma_wait3A_630] : memref<1000000x64xf32, #tpu.memory_space<hbm>> -> memref<128x64xf32, #tpu.memory_space<hbm>>
      tpu.wait_dma2 semaphore(%dma_wait3A_624 : memref<!tpu.dma_semaphore, #tpu.memory_space<semaphore_mem>>) src(%dma_wait3A_631 : memref<128x64xf32, #tpu.memory_space<hbm>>) dst(%dma_wait3A_628 : memref<128x64xf32, #tpu.memory_space<vmem>>)
      %mul3A_632 = arith.constant 10 : i32
      %mul3A_633 = arith.muli %scan3A_256, %mul3A_632 : i32
      %add3A_634 = arith.constant 6 : i32
      %add3A_635 = arith.addi %mul3A_633, %add3A_634 : i32
      %mul3A_636 = arith.constant 128 : i32
      %mul3A_637 = arith.muli %add3A_635, %mul3A_636 : i32
      %add3A_638 = arith.addi %mul3A_2, %mul3A_637 : i32
      %dma_start3A_639 = arith.constant 6 : i32
      %dma_start3A_640 = arith.constant 6 : i32
      %dma_start3A_641 = arith.constant 0 : i32
      %dma_start3A_642 = arith.constant 0 : i32
      %dma_start3A_643 = tpu.memref_slice %arg6[%dma_start3A_639, %dma_start3A_641, %dma_start3A_642] : memref<10x128x64xf32, #tpu.memory_space<vmem>> -> memref<1x128x64xf32, #tpu.memory_space<vmem>>
      %dma_start3A_644 = tpu.memref_squeeze %dma_start3A_643 : memref<1x128x64xf32, #tpu.memory_space<vmem>> -> memref<128x64xf32, #tpu.memory_space<vmem>>
      %dma_start3A_645 = arith.constant 0 : i32
      %dma_start3A_646 = tpu.memref_slice %arg4[%add3A_638, %dma_start3A_645] : memref<327680x64xf32, #tpu.memory_space<hbm>> -> memref<128x64xf32, #tpu.memory_space<hbm>>
      %dma_start3A_647 = tpu.memref_slice %arg8[%dma_start3A_640] : memref<10x!tpu.dma_semaphore, #tpu.memory_space<semaphore_mem>> -> memref<1x!tpu.dma_semaphore, #tpu.memory_space<semaphore_mem>>
      %dma_start3A_648 = tpu.memref_squeeze %dma_start3A_647 : memref<1x!tpu.dma_semaphore, #tpu.memory_space<semaphore_mem>> -> memref<!tpu.dma_semaphore, #tpu.memory_space<semaphore_mem>>
      %dma_start3A_649 = arith.constant 0 : i32
      %dma_start3A_650 = tpu.memref_slice %arg4[%add3A_638, %dma_start3A_649] : memref<327680x64xf32, #tpu.memory_space<hbm>> -> memref<128x64xf32, #tpu.memory_space<hbm>>
      %dma_start3A_651 = arith.constant 0 : i32
      %dma_start3A_652 = arith.constant 0 : i32
      %dma_start3A_653 = tpu.memref_slice %arg6[%dma_start3A_639, %dma_start3A_651, %dma_start3A_652] : memref<10x128x64xf32, #tpu.memory_space<vmem>> -> memref<1x128x64xf32, #tpu.memory_space<vmem>>
      %dma_start3A_654 = tpu.memref_squeeze %dma_start3A_653 : memref<1x128x64xf32, #tpu.memory_space<vmem>> -> memref<128x64xf32, #tpu.memory_space<vmem>>
      tpu.enqueue_dma source(%dma_start3A_654 : memref<128x64xf32, #tpu.memory_space<vmem>>) target(%dma_start3A_650 : memref<128x64xf32, #tpu.memory_space<hbm>>) target_semaphore(%dma_start3A_648 : memref<!tpu.dma_semaphore, #tpu.memory_space<semaphore_mem>>)
      %lt3A_655 = arith.constant 7 : i32
      %lt3A_656 = arith.cmpi slt, %scan3A_256, %lt3A_655 : i32
      %convert_element_type3A_657 = arith.extui %lt3A_656 : i1 to i32
      %cond3A_658 = arith.constant 0 : i32
      %cond3A_659 = arith.cmpi ne, %convert_element_type3A_657, %cond3A_658 : i32
      scf.if %cond3A_659 {
        %dma_wait3A_793 = arith.constant 3 : i32
        %dma_wait3A_794 = arith.constant 3 : i32
        %dma_wait3A_795 = arith.constant 0 : i32
        %dma_wait3A_796 = arith.constant 0 : i32
        %dma_wait3A_797 = tpu.memref_slice %arg6[%dma_wait3A_793, %dma_wait3A_795, %dma_wait3A_796] : memref<10x128x64xf32, #tpu.memory_space<vmem>> -> memref<1x128x64xf32, #tpu.memory_space<vmem>>
        %dma_wait3A_798 = tpu.memref_squeeze %dma_wait3A_797 : memref<1x128x64xf32, #tpu.memory_space<vmem>> -> memref<128x64xf32, #tpu.memory_space<vmem>>
        %dma_wait3A_799 = arith.constant 0 : i32
        %dma_wait3A_800 = tpu.memref_slice %arg4[%mul3A_2, %dma_wait3A_799] : memref<327680x64xf32, #tpu.memory_space<hbm>> -> memref<128x64xf32, #tpu.memory_space<hbm>>
        %dma_wait3A_801 = tpu.memref_slice %arg8[%dma_wait3A_794] : memref<10x!tpu.dma_semaphore, #tpu.memory_space<semaphore_mem>> -> memref<1x!tpu.dma_semaphore, #tpu.memory_space<semaphore_mem>>
        %dma_wait3A_802 = tpu.memref_squeeze %dma_wait3A_801 : memref<1x!tpu.dma_semaphore, #tpu.memory_space<semaphore_mem>> -> memref<!tpu.dma_semaphore, #tpu.memory_space<semaphore_mem>>
        %dma_wait3A_803 = arith.constant 0 : i32
        %dma_wait3A_804 = tpu.memref_slice %arg4[%mul3A_2, %dma_wait3A_803] : memref<327680x64xf32, #tpu.memory_space<hbm>> -> memref<128x64xf32, #tpu.memory_space<hbm>>
        %dma_wait3A_805 = arith.constant 0 : i32
        %dma_wait3A_806 = arith.constant 0 : i32
        %dma_wait3A_807 = tpu.memref_slice %arg6[%dma_wait3A_793, %dma_wait3A_805, %dma_wait3A_806] : memref<10x128x64xf32, #tpu.memory_space<vmem>> -> memref<1x128x64xf32, #tpu.memory_space<vmem>>
        %dma_wait3A_808 = tpu.memref_squeeze %dma_wait3A_807 : memref<1x128x64xf32, #tpu.memory_space<vmem>> -> memref<128x64xf32, #tpu.memory_space<vmem>>
        tpu.wait_dma2 semaphore(%dma_wait3A_802 : memref<!tpu.dma_semaphore, #tpu.memory_space<semaphore_mem>>) src(%dma_wait3A_808 : memref<128x64xf32, #tpu.memory_space<vmem>>) dst(%dma_wait3A_804 : memref<128x64xf32, #tpu.memory_space<hbm>>)
        %mul3A_809 = arith.constant 10 : i32
        %mul3A_810 = arith.muli %scan3A_256, %mul3A_809 : i32
        %add3A_811 = arith.constant 7 : i32
        %add3A_812 = arith.addi %mul3A_810, %add3A_811 : i32
        %add3A_813 = arith.constant 6 : i32
        %add3A_814 = arith.addi %add3A_812, %add3A_813 : i32
        %dma_start3A_815 = arith.constant 3 : i32
        %dma_start3A_816 = arith.constant 3 : i32
        %dma_start3A_817 = arith.constant 0 : i32
        %dma_start3A_818 = arith.constant 0 : i32
        %dma_start3A_819 = tpu.memref_slice %arg6[%dma_start3A_815, %dma_start3A_817, %dma_start3A_818] : memref<10x128x64xf32, #tpu.memory_space<vmem>> -> memref<1x128x64xf32, #tpu.memory_space<vmem>>
        %dma_start3A_820 = tpu.memref_squeeze %dma_start3A_819 : memref<1x128x64xf32, #tpu.memory_space<vmem>> -> memref<128x64xf32, #tpu.memory_space<vmem>>
        %dma_start3A_821 = arith.constant 0 : i32
        %dma_start3A_822 = tpu.memref_slice %arg5[%add3A_814, %dma_start3A_821] : memref<80x128xi32, #tpu.memory_space<vmem>> -> memref<1x128xi32, #tpu.memory_space<vmem>>
        %dma_start3A_823 = tpu.memref_squeeze %dma_start3A_822 : memref<1x128xi32, #tpu.memory_space<vmem>> -> memref<128xi32, #tpu.memory_space<vmem>>
        %dma_start3A_824 = arith.constant 0 : i32
        %dma_start3A_825 = arith.constant 0 : i32
        %dma_start3A_826 = tpu.memref_slice %arg2[%dma_start3A_824, %dma_start3A_825] : memref<1000000x64xf32, #tpu.memory_space<hbm>> -> memref<1000000x64xf32, #tpu.memory_space<hbm>>
        %dma_start3A_827 = tpu.memref_slice %arg7[%dma_start3A_816] : memref<10x!tpu.dma_semaphore, #tpu.memory_space<semaphore_mem>> -> memref<1x!tpu.dma_semaphore, #tpu.memory_space<semaphore_mem>>
        %dma_start3A_828 = tpu.memref_squeeze %dma_start3A_827 : memref<1x!tpu.dma_semaphore, #tpu.memory_space<semaphore_mem>> -> memref<!tpu.dma_semaphore, #tpu.memory_space<semaphore_mem>>
        tpu.enqueue_indirect_dma source(%dma_start3A_826 : memref<1000000x64xf32, #tpu.memory_space<hbm>>) target(%dma_start3A_820 : memref<128x64xf32, #tpu.memory_space<vmem>>) offsets(%dma_start3A_823 : memref<128xi32, #tpu.memory_space<vmem>>) semaphore(%dma_start3A_828 : memref<!tpu.dma_semaphore, #tpu.memory_space<semaphore_mem>>)
      } else {
      }
      %dma_wait3A_660 = arith.constant 7 : i32
      %dma_wait3A_661 = arith.constant 7 : i32
      %dma_wait3A_662 = arith.constant 0 : i32
      %dma_wait3A_663 = arith.constant 0 : i32
      %dma_wait3A_664 = tpu.memref_slice %arg6[%dma_wait3A_660, %dma_wait3A_662, %dma_wait3A_663] : memref<10x128x64xf32, #tpu.memory_space<vmem>> -> memref<1x128x64xf32, #tpu.memory_space<vmem>>
      %dma_wait3A_665 = tpu.memref_squeeze %dma_wait3A_664 : memref<1x128x64xf32, #tpu.memory_space<vmem>> -> memref<128x64xf32, #tpu.memory_space<vmem>>
      %dma_wait3A_666 = arith.constant 0 : i32
      %dma_wait3A_667 = arith.constant 0 : i32
      %dma_wait3A_668 = tpu.memref_slice %arg2[%dma_wait3A_666, %dma_wait3A_667] : memref<1000000x64xf32, #tpu.memory_space<hbm>> -> memref<128x64xf32, #tpu.memory_space<hbm>>
      %dma_wait3A_669 = tpu.memref_slice %arg7[%dma_wait3A_661] : memref<10x!tpu.dma_semaphore, #tpu.memory_space<semaphore_mem>> -> memref<1x!tpu.dma_semaphore, #tpu.memory_space<semaphore_mem>>
      %dma_wait3A_670 = tpu.memref_squeeze %dma_wait3A_669 : memref<1x!tpu.dma_semaphore, #tpu.memory_space<semaphore_mem>> -> memref<!tpu.dma_semaphore, #tpu.memory_space<semaphore_mem>>
      %dma_wait3A_671 = arith.constant 0 : i32
      %dma_wait3A_672 = arith.constant 0 : i32
      %dma_wait3A_673 = tpu.memref_slice %arg6[%dma_wait3A_660, %dma_wait3A_671, %dma_wait3A_672] : memref<10x128x64xf32, #tpu.memory_space<vmem>> -> memref<1x128x64xf32, #tpu.memory_space<vmem>>
      %dma_wait3A_674 = tpu.memref_squeeze %dma_wait3A_673 : memref<1x128x64xf32, #tpu.memory_space<vmem>> -> memref<128x64xf32, #tpu.memory_space<vmem>>
      %dma_wait3A_675 = arith.constant 0 : i32
      %dma_wait3A_676 = arith.constant 0 : i32
      %dma_wait3A_677 = tpu.memref_slice %arg2[%dma_wait3A_675, %dma_wait3A_676] : memref<1000000x64xf32, #tpu.memory_space<hbm>> -> memref<128x64xf32, #tpu.memory_space<hbm>>
      tpu.wait_dma2 semaphore(%dma_wait3A_670 : memref<!tpu.dma_semaphore, #tpu.memory_space<semaphore_mem>>) src(%dma_wait3A_677 : memref<128x64xf32, #tpu.memory_space<hbm>>) dst(%dma_wait3A_674 : memref<128x64xf32, #tpu.memory_space<vmem>>)
      %mul3A_678 = arith.constant 10 : i32
      %mul3A_679 = arith.muli %scan3A_256, %mul3A_678 : i32
      %add3A_680 = arith.constant 7 : i32
      %add3A_681 = arith.addi %mul3A_679, %add3A_680 : i32
      %mul3A_682 = arith.constant 128 : i32
      %mul3A_683 = arith.muli %add3A_681, %mul3A_682 : i32
      %add3A_684 = arith.addi %mul3A_2, %mul3A_683 : i32
      %dma_start3A_685 = arith.constant 7 : i32
      %dma_start3A_686 = arith.constant 7 : i32
      %dma_start3A_687 = arith.constant 0 : i32
      %dma_start3A_688 = arith.constant 0 : i32
      %dma_start3A_689 = tpu.memref_slice %arg6[%dma_start3A_685, %dma_start3A_687, %dma_start3A_688] : memref<10x128x64xf32, #tpu.memory_space<vmem>> -> memref<1x128x64xf32, #tpu.memory_space<vmem>>
      %dma_start3A_690 = tpu.memref_squeeze %dma_start3A_689 : memref<1x128x64xf32, #tpu.memory_space<vmem>> -> memref<128x64xf32, #tpu.memory_space<vmem>>
      %dma_start3A_691 = arith.constant 0 : i32
      %dma_start3A_692 = tpu.memref_slice %arg4[%add3A_684, %dma_start3A_691] : memref<327680x64xf32, #tpu.memory_space<hbm>> -> memref<128x64xf32, #tpu.memory_space<hbm>>
      %dma_start3A_693 = tpu.memref_slice %arg8[%dma_start3A_686] : memref<10x!tpu.dma_semaphore, #tpu.memory_space<semaphore_mem>> -> memref<1x!tpu.dma_semaphore, #tpu.memory_space<semaphore_mem>>
      %dma_start3A_694 = tpu.memref_squeeze %dma_start3A_693 : memref<1x!tpu.dma_semaphore, #tpu.memory_space<semaphore_mem>> -> memref<!tpu.dma_semaphore, #tpu.memory_space<semaphore_mem>>
      %dma_start3A_695 = arith.constant 0 : i32
      %dma_start3A_696 = tpu.memref_slice %arg4[%add3A_684, %dma_start3A_695] : memref<327680x64xf32, #tpu.memory_space<hbm>> -> memref<128x64xf32, #tpu.memory_space<hbm>>
      %dma_start3A_697 = arith.constant 0 : i32
      %dma_start3A_698 = arith.constant 0 : i32
      %dma_start3A_699 = tpu.memref_slice %arg6[%dma_start3A_685, %dma_start3A_697, %dma_start3A_698] : memref<10x128x64xf32, #tpu.memory_space<vmem>> -> memref<1x128x64xf32, #tpu.memory_space<vmem>>
      %dma_start3A_700 = tpu.memref_squeeze %dma_start3A_699 : memref<1x128x64xf32, #tpu.memory_space<vmem>> -> memref<128x64xf32, #tpu.memory_space<vmem>>
      tpu.enqueue_dma source(%dma_start3A_700 : memref<128x64xf32, #tpu.memory_space<vmem>>) target(%dma_start3A_696 : memref<128x64xf32, #tpu.memory_space<hbm>>) target_semaphore(%dma_start3A_694 : memref<!tpu.dma_semaphore, #tpu.memory_space<semaphore_mem>>)
      %lt3A_701 = arith.constant 7 : i32
      %lt3A_702 = arith.cmpi slt, %scan3A_256, %lt3A_701 : i32
      %convert_element_type3A_703 = arith.extui %lt3A_702 : i1 to i32
      %cond3A_704 = arith.constant 0 : i32
      %cond3A_705 = arith.cmpi ne, %convert_element_type3A_703, %cond3A_704 : i32
      scf.if %cond3A_705 {
        %dma_wait3A_793 = arith.constant 4 : i32
        %dma_wait3A_794 = arith.constant 4 : i32
        %dma_wait3A_795 = arith.constant 0 : i32
        %dma_wait3A_796 = arith.constant 0 : i32
        %dma_wait3A_797 = tpu.memref_slice %arg6[%dma_wait3A_793, %dma_wait3A_795, %dma_wait3A_796] : memref<10x128x64xf32, #tpu.memory_space<vmem>> -> memref<1x128x64xf32, #tpu.memory_space<vmem>>
        %dma_wait3A_798 = tpu.memref_squeeze %dma_wait3A_797 : memref<1x128x64xf32, #tpu.memory_space<vmem>> -> memref<128x64xf32, #tpu.memory_space<vmem>>
        %dma_wait3A_799 = arith.constant 0 : i32
        %dma_wait3A_800 = tpu.memref_slice %arg4[%mul3A_2, %dma_wait3A_799] : memref<327680x64xf32, #tpu.memory_space<hbm>> -> memref<128x64xf32, #tpu.memory_space<hbm>>
        %dma_wait3A_801 = tpu.memref_slice %arg8[%dma_wait3A_794] : memref<10x!tpu.dma_semaphore, #tpu.memory_space<semaphore_mem>> -> memref<1x!tpu.dma_semaphore, #tpu.memory_space<semaphore_mem>>
        %dma_wait3A_802 = tpu.memref_squeeze %dma_wait3A_801 : memref<1x!tpu.dma_semaphore, #tpu.memory_space<semaphore_mem>> -> memref<!tpu.dma_semaphore, #tpu.memory_space<semaphore_mem>>
        %dma_wait3A_803 = arith.constant 0 : i32
        %dma_wait3A_804 = tpu.memref_slice %arg4[%mul3A_2, %dma_wait3A_803] : memref<327680x64xf32, #tpu.memory_space<hbm>> -> memref<128x64xf32, #tpu.memory_space<hbm>>
        %dma_wait3A_805 = arith.constant 0 : i32
        %dma_wait3A_806 = arith.constant 0 : i32
        %dma_wait3A_807 = tpu.memref_slice %arg6[%dma_wait3A_793, %dma_wait3A_805, %dma_wait3A_806] : memref<10x128x64xf32, #tpu.memory_space<vmem>> -> memref<1x128x64xf32, #tpu.memory_space<vmem>>
        %dma_wait3A_808 = tpu.memref_squeeze %dma_wait3A_807 : memref<1x128x64xf32, #tpu.memory_space<vmem>> -> memref<128x64xf32, #tpu.memory_space<vmem>>
        tpu.wait_dma2 semaphore(%dma_wait3A_802 : memref<!tpu.dma_semaphore, #tpu.memory_space<semaphore_mem>>) src(%dma_wait3A_808 : memref<128x64xf32, #tpu.memory_space<vmem>>) dst(%dma_wait3A_804 : memref<128x64xf32, #tpu.memory_space<hbm>>)
        %mul3A_809 = arith.constant 10 : i32
        %mul3A_810 = arith.muli %scan3A_256, %mul3A_809 : i32
        %add3A_811 = arith.constant 8 : i32
        %add3A_812 = arith.addi %mul3A_810, %add3A_811 : i32
        %add3A_813 = arith.constant 6 : i32
        %add3A_814 = arith.addi %add3A_812, %add3A_813 : i32
        %dma_start3A_815 = arith.constant 4 : i32
        %dma_start3A_816 = arith.constant 4 : i32
        %dma_start3A_817 = arith.constant 0 : i32
        %dma_start3A_818 = arith.constant 0 : i32
        %dma_start3A_819 = tpu.memref_slice %arg6[%dma_start3A_815, %dma_start3A_817, %dma_start3A_818] : memref<10x128x64xf32, #tpu.memory_space<vmem>> -> memref<1x128x64xf32, #tpu.memory_space<vmem>>
        %dma_start3A_820 = tpu.memref_squeeze %dma_start3A_819 : memref<1x128x64xf32, #tpu.memory_space<vmem>> -> memref<128x64xf32, #tpu.memory_space<vmem>>
        %dma_start3A_821 = arith.constant 0 : i32
        %dma_start3A_822 = tpu.memref_slice %arg5[%add3A_814, %dma_start3A_821] : memref<80x128xi32, #tpu.memory_space<vmem>> -> memref<1x128xi32, #tpu.memory_space<vmem>>
        %dma_start3A_823 = tpu.memref_squeeze %dma_start3A_822 : memref<1x128xi32, #tpu.memory_space<vmem>> -> memref<128xi32, #tpu.memory_space<vmem>>
        %dma_start3A_824 = arith.constant 0 : i32
        %dma_start3A_825 = arith.constant 0 : i32
        %dma_start3A_826 = tpu.memref_slice %arg2[%dma_start3A_824, %dma_start3A_825] : memref<1000000x64xf32, #tpu.memory_space<hbm>> -> memref<1000000x64xf32, #tpu.memory_space<hbm>>
        %dma_start3A_827 = tpu.memref_slice %arg7[%dma_start3A_816] : memref<10x!tpu.dma_semaphore, #tpu.memory_space<semaphore_mem>> -> memref<1x!tpu.dma_semaphore, #tpu.memory_space<semaphore_mem>>
        %dma_start3A_828 = tpu.memref_squeeze %dma_start3A_827 : memref<1x!tpu.dma_semaphore, #tpu.memory_space<semaphore_mem>> -> memref<!tpu.dma_semaphore, #tpu.memory_space<semaphore_mem>>
        tpu.enqueue_indirect_dma source(%dma_start3A_826 : memref<1000000x64xf32, #tpu.memory_space<hbm>>) target(%dma_start3A_820 : memref<128x64xf32, #tpu.memory_space<vmem>>) offsets(%dma_start3A_823 : memref<128xi32, #tpu.memory_space<vmem>>) semaphore(%dma_start3A_828 : memref<!tpu.dma_semaphore, #tpu.memory_space<semaphore_mem>>)
      } else {
      }
      %dma_wait3A_706 = arith.constant 8 : i32
      %dma_wait3A_707 = arith.constant 8 : i32
      %dma_wait3A_708 = arith.constant 0 : i32
      %dma_wait3A_709 = arith.constant 0 : i32
      %dma_wait3A_710 = tpu.memref_slice %arg6[%dma_wait3A_706, %dma_wait3A_708, %dma_wait3A_709] : memref<10x128x64xf32, #tpu.memory_space<vmem>> -> memref<1x128x64xf32, #tpu.memory_space<vmem>>
      %dma_wait3A_711 = tpu.memref_squeeze %dma_wait3A_710 : memref<1x128x64xf32, #tpu.memory_space<vmem>> -> memref<128x64xf32, #tpu.memory_space<vmem>>
      %dma_wait3A_712 = arith.constant 0 : i32
      %dma_wait3A_713 = arith.constant 0 : i32
      %dma_wait3A_714 = tpu.memref_slice %arg2[%dma_wait3A_712, %dma_wait3A_713] : memref<1000000x64xf32, #tpu.memory_space<hbm>> -> memref<128x64xf32, #tpu.memory_space<hbm>>
      %dma_wait3A_715 = tpu.memref_slice %arg7[%dma_wait3A_707] : memref<10x!tpu.dma_semaphore, #tpu.memory_space<semaphore_mem>> -> memref<1x!tpu.dma_semaphore, #tpu.memory_space<semaphore_mem>>
      %dma_wait3A_716 = tpu.memref_squeeze %dma_wait3A_715 : memref<1x!tpu.dma_semaphore, #tpu.memory_space<semaphore_mem>> -> memref<!tpu.dma_semaphore, #tpu.memory_space<semaphore_mem>>
      %dma_wait3A_717 = arith.constant 0 : i32
      %dma_wait3A_718 = arith.constant 0 : i32
      %dma_wait3A_719 = tpu.memref_slice %arg6[%dma_wait3A_706, %dma_wait3A_717, %dma_wait3A_718] : memref<10x128x64xf32, #tpu.memory_space<vmem>> -> memref<1x128x64xf32, #tpu.memory_space<vmem>>
      %dma_wait3A_720 = tpu.memref_squeeze %dma_wait3A_719 : memref<1x128x64xf32, #tpu.memory_space<vmem>> -> memref<128x64xf32, #tpu.memory_space<vmem>>
      %dma_wait3A_721 = arith.constant 0 : i32
      %dma_wait3A_722 = arith.constant 0 : i32
      %dma_wait3A_723 = tpu.memref_slice %arg2[%dma_wait3A_721, %dma_wait3A_722] : memref<1000000x64xf32, #tpu.memory_space<hbm>> -> memref<128x64xf32, #tpu.memory_space<hbm>>
      tpu.wait_dma2 semaphore(%dma_wait3A_716 : memref<!tpu.dma_semaphore, #tpu.memory_space<semaphore_mem>>) src(%dma_wait3A_723 : memref<128x64xf32, #tpu.memory_space<hbm>>) dst(%dma_wait3A_720 : memref<128x64xf32, #tpu.memory_space<vmem>>)
      %mul3A_724 = arith.constant 10 : i32
      %mul3A_725 = arith.muli %scan3A_256, %mul3A_724 : i32
      %add3A_726 = arith.constant 8 : i32
      %add3A_727 = arith.addi %mul3A_725, %add3A_726 : i32
      %mul3A_728 = arith.constant 128 : i32
      %mul3A_729 = arith.muli %add3A_727, %mul3A_728 : i32
      %add3A_730 = arith.addi %mul3A_2, %mul3A_729 : i32
      %dma_start3A_731 = arith.constant 8 : i32
      %dma_start3A_732 = arith.constant 8 : i32
      %dma_start3A_733 = arith.constant 0 : i32
      %dma_start3A_734 = arith.constant 0 : i32
      %dma_start3A_735 = tpu.memref_slice %arg6[%dma_start3A_731, %dma_start3A_733, %dma_start3A_734] : memref<10x128x64xf32, #tpu.memory_space<vmem>> -> memref<1x128x64xf32, #tpu.memory_space<vmem>>
      %dma_start3A_736 = tpu.memref_squeeze %dma_start3A_735 : memref<1x128x64xf32, #tpu.memory_space<vmem>> -> memref<128x64xf32, #tpu.memory_space<vmem>>
      %dma_start3A_737 = arith.constant 0 : i32
      %dma_start3A_738 = tpu.memref_slice %arg4[%add3A_730, %dma_start3A_737] : memref<327680x64xf32, #tpu.memory_space<hbm>> -> memref<128x64xf32, #tpu.memory_space<hbm>>
      %dma_start3A_739 = tpu.memref_slice %arg8[%dma_start3A_732] : memref<10x!tpu.dma_semaphore, #tpu.memory_space<semaphore_mem>> -> memref<1x!tpu.dma_semaphore, #tpu.memory_space<semaphore_mem>>
      %dma_start3A_740 = tpu.memref_squeeze %dma_start3A_739 : memref<1x!tpu.dma_semaphore, #tpu.memory_space<semaphore_mem>> -> memref<!tpu.dma_semaphore, #tpu.memory_space<semaphore_mem>>
      %dma_start3A_741 = arith.constant 0 : i32
      %dma_start3A_742 = tpu.memref_slice %arg4[%add3A_730, %dma_start3A_741] : memref<327680x64xf32, #tpu.memory_space<hbm>> -> memref<128x64xf32, #tpu.memory_space<hbm>>
      %dma_start3A_743 = arith.constant 0 : i32
      %dma_start3A_744 = arith.constant 0 : i32
      %dma_start3A_745 = tpu.memref_slice %arg6[%dma_start3A_731, %dma_start3A_743, %dma_start3A_744] : memref<10x128x64xf32, #tpu.memory_space<vmem>> -> memref<1x128x64xf32, #tpu.memory_space<vmem>>
      %dma_start3A_746 = tpu.memref_squeeze %dma_start3A_745 : memref<1x128x64xf32, #tpu.memory_space<vmem>> -> memref<128x64xf32, #tpu.memory_space<vmem>>
      tpu.enqueue_dma source(%dma_start3A_746 : memref<128x64xf32, #tpu.memory_space<vmem>>) target(%dma_start3A_742 : memref<128x64xf32, #tpu.memory_space<hbm>>) target_semaphore(%dma_start3A_740 : memref<!tpu.dma_semaphore, #tpu.memory_space<semaphore_mem>>)
      %lt3A_747 = arith.constant 7 : i32
      %lt3A_748 = arith.cmpi slt, %scan3A_256, %lt3A_747 : i32
      %convert_element_type3A_749 = arith.extui %lt3A_748 : i1 to i32
      %cond3A_750 = arith.constant 0 : i32
      %cond3A_751 = arith.cmpi ne, %convert_element_type3A_749, %cond3A_750 : i32
      scf.if %cond3A_751 {
        %dma_wait3A_793 = arith.constant 5 : i32
        %dma_wait3A_794 = arith.constant 5 : i32
        %dma_wait3A_795 = arith.constant 0 : i32
        %dma_wait3A_796 = arith.constant 0 : i32
        %dma_wait3A_797 = tpu.memref_slice %arg6[%dma_wait3A_793, %dma_wait3A_795, %dma_wait3A_796] : memref<10x128x64xf32, #tpu.memory_space<vmem>> -> memref<1x128x64xf32, #tpu.memory_space<vmem>>
        %dma_wait3A_798 = tpu.memref_squeeze %dma_wait3A_797 : memref<1x128x64xf32, #tpu.memory_space<vmem>> -> memref<128x64xf32, #tpu.memory_space<vmem>>
        %dma_wait3A_799 = arith.constant 0 : i32
        %dma_wait3A_800 = tpu.memref_slice %arg4[%mul3A_2, %dma_wait3A_799] : memref<327680x64xf32, #tpu.memory_space<hbm>> -> memref<128x64xf32, #tpu.memory_space<hbm>>
        %dma_wait3A_801 = tpu.memref_slice %arg8[%dma_wait3A_794] : memref<10x!tpu.dma_semaphore, #tpu.memory_space<semaphore_mem>> -> memref<1x!tpu.dma_semaphore, #tpu.memory_space<semaphore_mem>>
        %dma_wait3A_802 = tpu.memref_squeeze %dma_wait3A_801 : memref<1x!tpu.dma_semaphore, #tpu.memory_space<semaphore_mem>> -> memref<!tpu.dma_semaphore, #tpu.memory_space<semaphore_mem>>
        %dma_wait3A_803 = arith.constant 0 : i32
        %dma_wait3A_804 = tpu.memref_slice %arg4[%mul3A_2, %dma_wait3A_803] : memref<327680x64xf32, #tpu.memory_space<hbm>> -> memref<128x64xf32, #tpu.memory_space<hbm>>
        %dma_wait3A_805 = arith.constant 0 : i32
        %dma_wait3A_806 = arith.constant 0 : i32
        %dma_wait3A_807 = tpu.memref_slice %arg6[%dma_wait3A_793, %dma_wait3A_805, %dma_wait3A_806] : memref<10x128x64xf32, #tpu.memory_space<vmem>> -> memref<1x128x64xf32, #tpu.memory_space<vmem>>
        %dma_wait3A_808 = tpu.memref_squeeze %dma_wait3A_807 : memref<1x128x64xf32, #tpu.memory_space<vmem>> -> memref<128x64xf32, #tpu.memory_space<vmem>>
        tpu.wait_dma2 semaphore(%dma_wait3A_802 : memref<!tpu.dma_semaphore, #tpu.memory_space<semaphore_mem>>) src(%dma_wait3A_808 : memref<128x64xf32, #tpu.memory_space<vmem>>) dst(%dma_wait3A_804 : memref<128x64xf32, #tpu.memory_space<hbm>>)
        %mul3A_809 = arith.constant 10 : i32
        %mul3A_810 = arith.muli %scan3A_256, %mul3A_809 : i32
        %add3A_811 = arith.constant 9 : i32
        %add3A_812 = arith.addi %mul3A_810, %add3A_811 : i32
        %add3A_813 = arith.constant 6 : i32
        %add3A_814 = arith.addi %add3A_812, %add3A_813 : i32
        %dma_start3A_815 = arith.constant 5 : i32
        %dma_start3A_816 = arith.constant 5 : i32
        %dma_start3A_817 = arith.constant 0 : i32
        %dma_start3A_818 = arith.constant 0 : i32
        %dma_start3A_819 = tpu.memref_slice %arg6[%dma_start3A_815, %dma_start3A_817, %dma_start3A_818] : memref<10x128x64xf32, #tpu.memory_space<vmem>> -> memref<1x128x64xf32, #tpu.memory_space<vmem>>
        %dma_start3A_820 = tpu.memref_squeeze %dma_start3A_819 : memref<1x128x64xf32, #tpu.memory_space<vmem>> -> memref<128x64xf32, #tpu.memory_space<vmem>>
        %dma_start3A_821 = arith.constant 0 : i32
        %dma_start3A_822 = tpu.memref_slice %arg5[%add3A_814, %dma_start3A_821] : memref<80x128xi32, #tpu.memory_space<vmem>> -> memref<1x128xi32, #tpu.memory_space<vmem>>
        %dma_start3A_823 = tpu.memref_squeeze %dma_start3A_822 : memref<1x128xi32, #tpu.memory_space<vmem>> -> memref<128xi32, #tpu.memory_space<vmem>>
        %dma_start3A_824 = arith.constant 0 : i32
        %dma_start3A_825 = arith.constant 0 : i32
        %dma_start3A_826 = tpu.memref_slice %arg2[%dma_start3A_824, %dma_start3A_825] : memref<1000000x64xf32, #tpu.memory_space<hbm>> -> memref<1000000x64xf32, #tpu.memory_space<hbm>>
        %dma_start3A_827 = tpu.memref_slice %arg7[%dma_start3A_816] : memref<10x!tpu.dma_semaphore, #tpu.memory_space<semaphore_mem>> -> memref<1x!tpu.dma_semaphore, #tpu.memory_space<semaphore_mem>>
        %dma_start3A_828 = tpu.memref_squeeze %dma_start3A_827 : memref<1x!tpu.dma_semaphore, #tpu.memory_space<semaphore_mem>> -> memref<!tpu.dma_semaphore, #tpu.memory_space<semaphore_mem>>
        tpu.enqueue_indirect_dma source(%dma_start3A_826 : memref<1000000x64xf32, #tpu.memory_space<hbm>>) target(%dma_start3A_820 : memref<128x64xf32, #tpu.memory_space<vmem>>) offsets(%dma_start3A_823 : memref<128xi32, #tpu.memory_space<vmem>>) semaphore(%dma_start3A_828 : memref<!tpu.dma_semaphore, #tpu.memory_space<semaphore_mem>>)
      } else {
      }
      %dma_wait3A_752 = arith.constant 9 : i32
      %dma_wait3A_753 = arith.constant 9 : i32
      %dma_wait3A_754 = arith.constant 0 : i32
      %dma_wait3A_755 = arith.constant 0 : i32
      %dma_wait3A_756 = tpu.memref_slice %arg6[%dma_wait3A_752, %dma_wait3A_754, %dma_wait3A_755] : memref<10x128x64xf32, #tpu.memory_space<vmem>> -> memref<1x128x64xf32, #tpu.memory_space<vmem>>
      %dma_wait3A_757 = tpu.memref_squeeze %dma_wait3A_756 : memref<1x128x64xf32, #tpu.memory_space<vmem>> -> memref<128x64xf32, #tpu.memory_space<vmem>>
      %dma_wait3A_758 = arith.constant 0 : i32
      %dma_wait3A_759 = arith.constant 0 : i32
      %dma_wait3A_760 = tpu.memref_slice %arg2[%dma_wait3A_758, %dma_wait3A_759] : memref<1000000x64xf32, #tpu.memory_space<hbm>> -> memref<128x64xf32, #tpu.memory_space<hbm>>
      %dma_wait3A_761 = tpu.memref_slice %arg7[%dma_wait3A_753] : memref<10x!tpu.dma_semaphore, #tpu.memory_space<semaphore_mem>> -> memref<1x!tpu.dma_semaphore, #tpu.memory_space<semaphore_mem>>
      %dma_wait3A_762 = tpu.memref_squeeze %dma_wait3A_761 : memref<1x!tpu.dma_semaphore, #tpu.memory_space<semaphore_mem>> -> memref<!tpu.dma_semaphore, #tpu.memory_space<semaphore_mem>>
      %dma_wait3A_763 = arith.constant 0 : i32
      %dma_wait3A_764 = arith.constant 0 : i32
      %dma_wait3A_765 = tpu.memref_slice %arg6[%dma_wait3A_752, %dma_wait3A_763, %dma_wait3A_764] : memref<10x128x64xf32, #tpu.memory_space<vmem>> -> memref<1x128x64xf32, #tpu.memory_space<vmem>>
      %dma_wait3A_766 = tpu.memref_squeeze %dma_wait3A_765 : memref<1x128x64xf32, #tpu.memory_space<vmem>> -> memref<128x64xf32, #tpu.memory_space<vmem>>
      %dma_wait3A_767 = arith.constant 0 : i32
      %dma_wait3A_768 = arith.constant 0 : i32
      %dma_wait3A_769 = tpu.memref_slice %arg2[%dma_wait3A_767, %dma_wait3A_768] : memref<1000000x64xf32, #tpu.memory_space<hbm>> -> memref<128x64xf32, #tpu.memory_space<hbm>>
      tpu.wait_dma2 semaphore(%dma_wait3A_762 : memref<!tpu.dma_semaphore, #tpu.memory_space<semaphore_mem>>) src(%dma_wait3A_769 : memref<128x64xf32, #tpu.memory_space<hbm>>) dst(%dma_wait3A_766 : memref<128x64xf32, #tpu.memory_space<vmem>>)
      %mul3A_770 = arith.constant 10 : i32
      %mul3A_771 = arith.muli %scan3A_256, %mul3A_770 : i32
      %add3A_772 = arith.constant 9 : i32
      %add3A_773 = arith.addi %mul3A_771, %add3A_772 : i32
      %mul3A_774 = arith.constant 128 : i32
      %mul3A_775 = arith.muli %add3A_773, %mul3A_774 : i32
      %add3A_776 = arith.addi %mul3A_2, %mul3A_775 : i32
      %dma_start3A_777 = arith.constant 9 : i32
      %dma_start3A_778 = arith.constant 9 : i32
      %dma_start3A_779 = arith.constant 0 : i32
      %dma_start3A_780 = arith.constant 0 : i32
      %dma_start3A_781 = tpu.memref_slice %arg6[%dma_start3A_777, %dma_start3A_779, %dma_start3A_780] : memref<10x128x64xf32, #tpu.memory_space<vmem>> -> memref<1x128x64xf32, #tpu.memory_space<vmem>>
      %dma_start3A_782 = tpu.memref_squeeze %dma_start3A_781 : memref<1x128x64xf32, #tpu.memory_space<vmem>> -> memref<128x64xf32, #tpu.memory_space<vmem>>
      %dma_start3A_783 = arith.constant 0 : i32
      %dma_start3A_784 = tpu.memref_slice %arg4[%add3A_776, %dma_start3A_783] : memref<327680x64xf32, #tpu.memory_space<hbm>> -> memref<128x64xf32, #tpu.memory_space<hbm>>
      %dma_start3A_785 = tpu.memref_slice %arg8[%dma_start3A_778] : memref<10x!tpu.dma_semaphore, #tpu.memory_space<semaphore_mem>> -> memref<1x!tpu.dma_semaphore, #tpu.memory_space<semaphore_mem>>
      %dma_start3A_786 = tpu.memref_squeeze %dma_start3A_785 : memref<1x!tpu.dma_semaphore, #tpu.memory_space<semaphore_mem>> -> memref<!tpu.dma_semaphore, #tpu.memory_space<semaphore_mem>>
      %dma_start3A_787 = arith.constant 0 : i32
      %dma_start3A_788 = tpu.memref_slice %arg4[%add3A_776, %dma_start3A_787] : memref<327680x64xf32, #tpu.memory_space<hbm>> -> memref<128x64xf32, #tpu.memory_space<hbm>>
      %dma_start3A_789 = arith.constant 0 : i32
      %dma_start3A_790 = arith.constant 0 : i32
      %dma_start3A_791 = tpu.memref_slice %arg6[%dma_start3A_777, %dma_start3A_789, %dma_start3A_790] : memref<10x128x64xf32, #tpu.memory_space<vmem>> -> memref<1x128x64xf32, #tpu.memory_space<vmem>>
      %dma_start3A_792 = tpu.memref_squeeze %dma_start3A_791 : memref<1x128x64xf32, #tpu.memory_space<vmem>> -> memref<128x64xf32, #tpu.memory_space<vmem>>
      tpu.enqueue_dma source(%dma_start3A_792 : memref<128x64xf32, #tpu.memory_space<vmem>>) target(%dma_start3A_788 : memref<128x64xf32, #tpu.memory_space<hbm>>) target_semaphore(%dma_start3A_786 : memref<!tpu.dma_semaphore, #tpu.memory_space<semaphore_mem>>)
    }
    %scan3A_96 = arith.constant 8 : i32
    %dma_wait3A = arith.constant 0 : i32
    %dma_wait3A_97 = arith.constant 0 : i32
    %dma_wait3A_98 = arith.constant 0 : i32
    %dma_wait3A_99 = arith.constant 0 : i32
    %dma_wait3A_100 = tpu.memref_slice %arg6[%dma_wait3A, %dma_wait3A_98, %dma_wait3A_99] : memref<10x128x64xf32, #tpu.memory_space<vmem>> -> memref<1x128x64xf32, #tpu.memory_space<vmem>>
    %dma_wait3A_101 = tpu.memref_squeeze %dma_wait3A_100 : memref<1x128x64xf32, #tpu.memory_space<vmem>> -> memref<128x64xf32, #tpu.memory_space<vmem>>
    %dma_wait3A_102 = arith.constant 0 : i32
    %dma_wait3A_103 = tpu.memref_slice %arg4[%mul3A_2, %dma_wait3A_102] : memref<327680x64xf32, #tpu.memory_space<hbm>> -> memref<128x64xf32, #tpu.memory_space<hbm>>
    %dma_wait3A_104 = tpu.memref_slice %arg8[%dma_wait3A_97] : memref<10x!tpu.dma_semaphore, #tpu.memory_space<semaphore_mem>> -> memref<1x!tpu.dma_semaphore, #tpu.memory_space<semaphore_mem>>
    %dma_wait3A_105 = tpu.memref_squeeze %dma_wait3A_104 : memref<1x!tpu.dma_semaphore, #tpu.memory_space<semaphore_mem>> -> memref<!tpu.dma_semaphore, #tpu.memory_space<semaphore_mem>>
    %dma_wait3A_106 = arith.constant 0 : i32
    %dma_wait3A_107 = tpu.memref_slice %arg4[%mul3A_2, %dma_wait3A_106] : memref<327680x64xf32, #tpu.memory_space<hbm>> -> memref<128x64xf32, #tpu.memory_space<hbm>>
    %dma_wait3A_108 = arith.constant 0 : i32
    %dma_wait3A_109 = arith.constant 0 : i32
    %dma_wait3A_110 = tpu.memref_slice %arg6[%dma_wait3A, %dma_wait3A_108, %dma_wait3A_109] : memref<10x128x64xf32, #tpu.memory_space<vmem>> -> memref<1x128x64xf32, #tpu.memory_space<vmem>>
    %dma_wait3A_111 = tpu.memref_squeeze %dma_wait3A_110 : memref<1x128x64xf32, #tpu.memory_space<vmem>> -> memref<128x64xf32, #tpu.memory_space<vmem>>
    tpu.wait_dma2 semaphore(%dma_wait3A_105 : memref<!tpu.dma_semaphore, #tpu.memory_space<semaphore_mem>>) src(%dma_wait3A_111 : memref<128x64xf32, #tpu.memory_space<vmem>>) dst(%dma_wait3A_107 : memref<128x64xf32, #tpu.memory_space<hbm>>)
    %dma_wait3A_112 = arith.constant 1 : i32
    %dma_wait3A_113 = arith.constant 1 : i32
    %dma_wait3A_114 = arith.constant 0 : i32
    %dma_wait3A_115 = arith.constant 0 : i32
    %dma_wait3A_116 = tpu.memref_slice %arg6[%dma_wait3A_112, %dma_wait3A_114, %dma_wait3A_115] : memref<10x128x64xf32, #tpu.memory_space<vmem>> -> memref<1x128x64xf32, #tpu.memory_space<vmem>>
    %dma_wait3A_117 = tpu.memref_squeeze %dma_wait3A_116 : memref<1x128x64xf32, #tpu.memory_space<vmem>> -> memref<128x64xf32, #tpu.memory_space<vmem>>
    %dma_wait3A_118 = arith.constant 0 : i32
    %dma_wait3A_119 = tpu.memref_slice %arg4[%mul3A_2, %dma_wait3A_118] : memref<327680x64xf32, #tpu.memory_space<hbm>> -> memref<128x64xf32, #tpu.memory_space<hbm>>
    %dma_wait3A_120 = tpu.memref_slice %arg8[%dma_wait3A_113] : memref<10x!tpu.dma_semaphore, #tpu.memory_space<semaphore_mem>> -> memref<1x!tpu.dma_semaphore, #tpu.memory_space<semaphore_mem>>
    %dma_wait3A_121 = tpu.memref_squeeze %dma_wait3A_120 : memref<1x!tpu.dma_semaphore, #tpu.memory_space<semaphore_mem>> -> memref<!tpu.dma_semaphore, #tpu.memory_space<semaphore_mem>>
    %dma_wait3A_122 = arith.constant 0 : i32
    %dma_wait3A_123 = tpu.memref_slice %arg4[%mul3A_2, %dma_wait3A_122] : memref<327680x64xf32, #tpu.memory_space<hbm>> -> memref<128x64xf32, #tpu.memory_space<hbm>>
    %dma_wait3A_124 = arith.constant 0 : i32
    %dma_wait3A_125 = arith.constant 0 : i32
    %dma_wait3A_126 = tpu.memref_slice %arg6[%dma_wait3A_112, %dma_wait3A_124, %dma_wait3A_125] : memref<10x128x64xf32, #tpu.memory_space<vmem>> -> memref<1x128x64xf32, #tpu.memory_space<vmem>>
    %dma_wait3A_127 = tpu.memref_squeeze %dma_wait3A_126 : memref<1x128x64xf32, #tpu.memory_space<vmem>> -> memref<128x64xf32, #tpu.memory_space<vmem>>
    tpu.wait_dma2 semaphore(%dma_wait3A_121 : memref<!tpu.dma_semaphore, #tpu.memory_space<semaphore_mem>>) src(%dma_wait3A_127 : memref<128x64xf32, #tpu.memory_space<vmem>>) dst(%dma_wait3A_123 : memref<128x64xf32, #tpu.memory_space<hbm>>)
    %dma_wait3A_128 = arith.constant 2 : i32
    %dma_wait3A_129 = arith.constant 2 : i32
    %dma_wait3A_130 = arith.constant 0 : i32
    %dma_wait3A_131 = arith.constant 0 : i32
    %dma_wait3A_132 = tpu.memref_slice %arg6[%dma_wait3A_128, %dma_wait3A_130, %dma_wait3A_131] : memref<10x128x64xf32, #tpu.memory_space<vmem>> -> memref<1x128x64xf32, #tpu.memory_space<vmem>>
    %dma_wait3A_133 = tpu.memref_squeeze %dma_wait3A_132 : memref<1x128x64xf32, #tpu.memory_space<vmem>> -> memref<128x64xf32, #tpu.memory_space<vmem>>
    %dma_wait3A_134 = arith.constant 0 : i32
    %dma_wait3A_135 = tpu.memref_slice %arg4[%mul3A_2, %dma_wait3A_134] : memref<327680x64xf32, #tpu.memory_space<hbm>> -> memref<128x64xf32, #tpu.memory_space<hbm>>
    %dma_wait3A_136 = tpu.memref_slice %arg8[%dma_wait3A_129] : memref<10x!tpu.dma_semaphore, #tpu.memory_space<semaphore_mem>> -> memref<1x!tpu.dma_semaphore, #tpu.memory_space<semaphore_mem>>
    %dma_wait3A_137 = tpu.memref_squeeze %dma_wait3A_136 : memref<1x!tpu.dma_semaphore, #tpu.memory_space<semaphore_mem>> -> memref<!tpu.dma_semaphore, #tpu.memory_space<semaphore_mem>>
    %dma_wait3A_138 = arith.constant 0 : i32
    %dma_wait3A_139 = tpu.memref_slice %arg4[%mul3A_2, %dma_wait3A_138] : memref<327680x64xf32, #tpu.memory_space<hbm>> -> memref<128x64xf32, #tpu.memory_space<hbm>>
    %dma_wait3A_140 = arith.constant 0 : i32
    %dma_wait3A_141 = arith.constant 0 : i32
    %dma_wait3A_142 = tpu.memref_slice %arg6[%dma_wait3A_128, %dma_wait3A_140, %dma_wait3A_141] : memref<10x128x64xf32, #tpu.memory_space<vmem>> -> memref<1x128x64xf32, #tpu.memory_space<vmem>>
    %dma_wait3A_143 = tpu.memref_squeeze %dma_wait3A_142 : memref<1x128x64xf32, #tpu.memory_space<vmem>> -> memref<128x64xf32, #tpu.memory_space<vmem>>
    tpu.wait_dma2 semaphore(%dma_wait3A_137 : memref<!tpu.dma_semaphore, #tpu.memory_space<semaphore_mem>>) src(%dma_wait3A_143 : memref<128x64xf32, #tpu.memory_space<vmem>>) dst(%dma_wait3A_139 : memref<128x64xf32, #tpu.memory_space<hbm>>)
    %dma_wait3A_144 = arith.constant 3 : i32
    %dma_wait3A_145 = arith.constant 3 : i32
    %dma_wait3A_146 = arith.constant 0 : i32
    %dma_wait3A_147 = arith.constant 0 : i32
    %dma_wait3A_148 = tpu.memref_slice %arg6[%dma_wait3A_144, %dma_wait3A_146, %dma_wait3A_147] : memref<10x128x64xf32, #tpu.memory_space<vmem>> -> memref<1x128x64xf32, #tpu.memory_space<vmem>>
    %dma_wait3A_149 = tpu.memref_squeeze %dma_wait3A_148 : memref<1x128x64xf32, #tpu.memory_space<vmem>> -> memref<128x64xf32, #tpu.memory_space<vmem>>
    %dma_wait3A_150 = arith.constant 0 : i32
    %dma_wait3A_151 = tpu.memref_slice %arg4[%mul3A_2, %dma_wait3A_150] : memref<327680x64xf32, #tpu.memory_space<hbm>> -> memref<128x64xf32, #tpu.memory_space<hbm>>
    %dma_wait3A_152 = tpu.memref_slice %arg8[%dma_wait3A_145] : memref<10x!tpu.dma_semaphore, #tpu.memory_space<semaphore_mem>> -> memref<1x!tpu.dma_semaphore, #tpu.memory_space<semaphore_mem>>
    %dma_wait3A_153 = tpu.memref_squeeze %dma_wait3A_152 : memref<1x!tpu.dma_semaphore, #tpu.memory_space<semaphore_mem>> -> memref<!tpu.dma_semaphore, #tpu.memory_space<semaphore_mem>>
    %dma_wait3A_154 = arith.constant 0 : i32
    %dma_wait3A_155 = tpu.memref_slice %arg4[%mul3A_2, %dma_wait3A_154] : memref<327680x64xf32, #tpu.memory_space<hbm>> -> memref<128x64xf32, #tpu.memory_space<hbm>>
    %dma_wait3A_156 = arith.constant 0 : i32
    %dma_wait3A_157 = arith.constant 0 : i32
    %dma_wait3A_158 = tpu.memref_slice %arg6[%dma_wait3A_144, %dma_wait3A_156, %dma_wait3A_157] : memref<10x128x64xf32, #tpu.memory_space<vmem>> -> memref<1x128x64xf32, #tpu.memory_space<vmem>>
    %dma_wait3A_159 = tpu.memref_squeeze %dma_wait3A_158 : memref<1x128x64xf32, #tpu.memory_space<vmem>> -> memref<128x64xf32, #tpu.memory_space<vmem>>
    tpu.wait_dma2 semaphore(%dma_wait3A_153 : memref<!tpu.dma_semaphore, #tpu.memory_space<semaphore_mem>>) src(%dma_wait3A_159 : memref<128x64xf32, #tpu.memory_space<vmem>>) dst(%dma_wait3A_155 : memref<128x64xf32, #tpu.memory_space<hbm>>)
    %dma_wait3A_160 = arith.constant 4 : i32
    %dma_wait3A_161 = arith.constant 4 : i32
    %dma_wait3A_162 = arith.constant 0 : i32
    %dma_wait3A_163 = arith.constant 0 : i32
    %dma_wait3A_164 = tpu.memref_slice %arg6[%dma_wait3A_160, %dma_wait3A_162, %dma_wait3A_163] : memref<10x128x64xf32, #tpu.memory_space<vmem>> -> memref<1x128x64xf32, #tpu.memory_space<vmem>>
    %dma_wait3A_165 = tpu.memref_squeeze %dma_wait3A_164 : memref<1x128x64xf32, #tpu.memory_space<vmem>> -> memref<128x64xf32, #tpu.memory_space<vmem>>
    %dma_wait3A_166 = arith.constant 0 : i32
    %dma_wait3A_167 = tpu.memref_slice %arg4[%mul3A_2, %dma_wait3A_166] : memref<327680x64xf32, #tpu.memory_space<hbm>> -> memref<128x64xf32, #tpu.memory_space<hbm>>
    %dma_wait3A_168 = tpu.memref_slice %arg8[%dma_wait3A_161] : memref<10x!tpu.dma_semaphore, #tpu.memory_space<semaphore_mem>> -> memref<1x!tpu.dma_semaphore, #tpu.memory_space<semaphore_mem>>
    %dma_wait3A_169 = tpu.memref_squeeze %dma_wait3A_168 : memref<1x!tpu.dma_semaphore, #tpu.memory_space<semaphore_mem>> -> memref<!tpu.dma_semaphore, #tpu.memory_space<semaphore_mem>>
    %dma_wait3A_170 = arith.constant 0 : i32
    %dma_wait3A_171 = tpu.memref_slice %arg4[%mul3A_2, %dma_wait3A_170] : memref<327680x64xf32, #tpu.memory_space<hbm>> -> memref<128x64xf32, #tpu.memory_space<hbm>>
    %dma_wait3A_172 = arith.constant 0 : i32
    %dma_wait3A_173 = arith.constant 0 : i32
    %dma_wait3A_174 = tpu.memref_slice %arg6[%dma_wait3A_160, %dma_wait3A_172, %dma_wait3A_173] : memref<10x128x64xf32, #tpu.memory_space<vmem>> -> memref<1x128x64xf32, #tpu.memory_space<vmem>>
    %dma_wait3A_175 = tpu.memref_squeeze %dma_wait3A_174 : memref<1x128x64xf32, #tpu.memory_space<vmem>> -> memref<128x64xf32, #tpu.memory_space<vmem>>
    tpu.wait_dma2 semaphore(%dma_wait3A_169 : memref<!tpu.dma_semaphore, #tpu.memory_space<semaphore_mem>>) src(%dma_wait3A_175 : memref<128x64xf32, #tpu.memory_space<vmem>>) dst(%dma_wait3A_171 : memref<128x64xf32, #tpu.memory_space<hbm>>)
    %dma_wait3A_176 = arith.constant 5 : i32
    %dma_wait3A_177 = arith.constant 5 : i32
    %dma_wait3A_178 = arith.constant 0 : i32
    %dma_wait3A_179 = arith.constant 0 : i32
    %dma_wait3A_180 = tpu.memref_slice %arg6[%dma_wait3A_176, %dma_wait3A_178, %dma_wait3A_179] : memref<10x128x64xf32, #tpu.memory_space<vmem>> -> memref<1x128x64xf32, #tpu.memory_space<vmem>>
    %dma_wait3A_181 = tpu.memref_squeeze %dma_wait3A_180 : memref<1x128x64xf32, #tpu.memory_space<vmem>> -> memref<128x64xf32, #tpu.memory_space<vmem>>
    %dma_wait3A_182 = arith.constant 0 : i32
    %dma_wait3A_183 = tpu.memref_slice %arg4[%mul3A_2, %dma_wait3A_182] : memref<327680x64xf32, #tpu.memory_space<hbm>> -> memref<128x64xf32, #tpu.memory_space<hbm>>
    %dma_wait3A_184 = tpu.memref_slice %arg8[%dma_wait3A_177] : memref<10x!tpu.dma_semaphore, #tpu.memory_space<semaphore_mem>> -> memref<1x!tpu.dma_semaphore, #tpu.memory_space<semaphore_mem>>
    %dma_wait3A_185 = tpu.memref_squeeze %dma_wait3A_184 : memref<1x!tpu.dma_semaphore, #tpu.memory_space<semaphore_mem>> -> memref<!tpu.dma_semaphore, #tpu.memory_space<semaphore_mem>>
    %dma_wait3A_186 = arith.constant 0 : i32
    %dma_wait3A_187 = tpu.memref_slice %arg4[%mul3A_2, %dma_wait3A_186] : memref<327680x64xf32, #tpu.memory_space<hbm>> -> memref<128x64xf32, #tpu.memory_space<hbm>>
    %dma_wait3A_188 = arith.constant 0 : i32
    %dma_wait3A_189 = arith.constant 0 : i32
    %dma_wait3A_190 = tpu.memref_slice %arg6[%dma_wait3A_176, %dma_wait3A_188, %dma_wait3A_189] : memref<10x128x64xf32, #tpu.memory_space<vmem>> -> memref<1x128x64xf32, #tpu.memory_space<vmem>>
    %dma_wait3A_191 = tpu.memref_squeeze %dma_wait3A_190 : memref<1x128x64xf32, #tpu.memory_space<vmem>> -> memref<128x64xf32, #tpu.memory_space<vmem>>
    tpu.wait_dma2 semaphore(%dma_wait3A_185 : memref<!tpu.dma_semaphore, #tpu.memory_space<semaphore_mem>>) src(%dma_wait3A_191 : memref<128x64xf32, #tpu.memory_space<vmem>>) dst(%dma_wait3A_187 : memref<128x64xf32, #tpu.memory_space<hbm>>)
    %dma_wait3A_192 = arith.constant 6 : i32
    %dma_wait3A_193 = arith.constant 6 : i32
    %dma_wait3A_194 = arith.constant 0 : i32
    %dma_wait3A_195 = arith.constant 0 : i32
    %dma_wait3A_196 = tpu.memref_slice %arg6[%dma_wait3A_192, %dma_wait3A_194, %dma_wait3A_195] : memref<10x128x64xf32, #tpu.memory_space<vmem>> -> memref<1x128x64xf32, #tpu.memory_space<vmem>>
    %dma_wait3A_197 = tpu.memref_squeeze %dma_wait3A_196 : memref<1x128x64xf32, #tpu.memory_space<vmem>> -> memref<128x64xf32, #tpu.memory_space<vmem>>
    %dma_wait3A_198 = arith.constant 0 : i32
    %dma_wait3A_199 = tpu.memref_slice %arg4[%mul3A_2, %dma_wait3A_198] : memref<327680x64xf32, #tpu.memory_space<hbm>> -> memref<128x64xf32, #tpu.memory_space<hbm>>
    %dma_wait3A_200 = tpu.memref_slice %arg8[%dma_wait3A_193] : memref<10x!tpu.dma_semaphore, #tpu.memory_space<semaphore_mem>> -> memref<1x!tpu.dma_semaphore, #tpu.memory_space<semaphore_mem>>
    %dma_wait3A_201 = tpu.memref_squeeze %dma_wait3A_200 : memref<1x!tpu.dma_semaphore, #tpu.memory_space<semaphore_mem>> -> memref<!tpu.dma_semaphore, #tpu.memory_space<semaphore_mem>>
    %dma_wait3A_202 = arith.constant 0 : i32
    %dma_wait3A_203 = tpu.memref_slice %arg4[%mul3A_2, %dma_wait3A_202] : memref<327680x64xf32, #tpu.memory_space<hbm>> -> memref<128x64xf32, #tpu.memory_space<hbm>>
    %dma_wait3A_204 = arith.constant 0 : i32
    %dma_wait3A_205 = arith.constant 0 : i32
    %dma_wait3A_206 = tpu.memref_slice %arg6[%dma_wait3A_192, %dma_wait3A_204, %dma_wait3A_205] : memref<10x128x64xf32, #tpu.memory_space<vmem>> -> memref<1x128x64xf32, #tpu.memory_space<vmem>>
    %dma_wait3A_207 = tpu.memref_squeeze %dma_wait3A_206 : memref<1x128x64xf32, #tpu.memory_space<vmem>> -> memref<128x64xf32, #tpu.memory_space<vmem>>
    tpu.wait_dma2 semaphore(%dma_wait3A_201 : memref<!tpu.dma_semaphore, #tpu.memory_space<semaphore_mem>>) src(%dma_wait3A_207 : memref<128x64xf32, #tpu.memory_space<vmem>>) dst(%dma_wait3A_203 : memref<128x64xf32, #tpu.memory_space<hbm>>)
    %dma_wait3A_208 = arith.constant 7 : i32
    %dma_wait3A_209 = arith.constant 7 : i32
    %dma_wait3A_210 = arith.constant 0 : i32
    %dma_wait3A_211 = arith.constant 0 : i32
    %dma_wait3A_212 = tpu.memref_slice %arg6[%dma_wait3A_208, %dma_wait3A_210, %dma_wait3A_211] : memref<10x128x64xf32, #tpu.memory_space<vmem>> -> memref<1x128x64xf32, #tpu.memory_space<vmem>>
    %dma_wait3A_213 = tpu.memref_squeeze %dma_wait3A_212 : memref<1x128x64xf32, #tpu.memory_space<vmem>> -> memref<128x64xf32, #tpu.memory_space<vmem>>
    %dma_wait3A_214 = arith.constant 0 : i32
    %dma_wait3A_215 = tpu.memref_slice %arg4[%mul3A_2, %dma_wait3A_214] : memref<327680x64xf32, #tpu.memory_space<hbm>> -> memref<128x64xf32, #tpu.memory_space<hbm>>
    %dma_wait3A_216 = tpu.memref_slice %arg8[%dma_wait3A_209] : memref<10x!tpu.dma_semaphore, #tpu.memory_space<semaphore_mem>> -> memref<1x!tpu.dma_semaphore, #tpu.memory_space<semaphore_mem>>
    %dma_wait3A_217 = tpu.memref_squeeze %dma_wait3A_216 : memref<1x!tpu.dma_semaphore, #tpu.memory_space<semaphore_mem>> -> memref<!tpu.dma_semaphore, #tpu.memory_space<semaphore_mem>>
    %dma_wait3A_218 = arith.constant 0 : i32
    %dma_wait3A_219 = tpu.memref_slice %arg4[%mul3A_2, %dma_wait3A_218] : memref<327680x64xf32, #tpu.memory_space<hbm>> -> memref<128x64xf32, #tpu.memory_space<hbm>>
    %dma_wait3A_220 = arith.constant 0 : i32
    %dma_wait3A_221 = arith.constant 0 : i32
    %dma_wait3A_222 = tpu.memref_slice %arg6[%dma_wait3A_208, %dma_wait3A_220, %dma_wait3A_221] : memref<10x128x64xf32, #tpu.memory_space<vmem>> -> memref<1x128x64xf32, #tpu.memory_space<vmem>>
    %dma_wait3A_223 = tpu.memref_squeeze %dma_wait3A_222 : memref<1x128x64xf32, #tpu.memory_space<vmem>> -> memref<128x64xf32, #tpu.memory_space<vmem>>
    tpu.wait_dma2 semaphore(%dma_wait3A_217 : memref<!tpu.dma_semaphore, #tpu.memory_space<semaphore_mem>>) src(%dma_wait3A_223 : memref<128x64xf32, #tpu.memory_space<vmem>>) dst(%dma_wait3A_219 : memref<128x64xf32, #tpu.memory_space<hbm>>)
    %dma_wait3A_224 = arith.constant 8 : i32
    %dma_wait3A_225 = arith.constant 8 : i32
    %dma_wait3A_226 = arith.constant 0 : i32
    %dma_wait3A_227 = arith.constant 0 : i32
    %dma_wait3A_228 = tpu.memref_slice %arg6[%dma_wait3A_224, %dma_wait3A_226, %dma_wait3A_227] : memref<10x128x64xf32, #tpu.memory_space<vmem>> -> memref<1x128x64xf32, #tpu.memory_space<vmem>>
    %dma_wait3A_229 = tpu.memref_squeeze %dma_wait3A_228 : memref<1x128x64xf32, #tpu.memory_space<vmem>> -> memref<128x64xf32, #tpu.memory_space<vmem>>
    %dma_wait3A_230 = arith.constant 0 : i32
    %dma_wait3A_231 = tpu.memref_slice %arg4[%mul3A_2, %dma_wait3A_230] : memref<327680x64xf32, #tpu.memory_space<hbm>> -> memref<128x64xf32, #tpu.memory_space<hbm>>
    %dma_wait3A_232 = tpu.memref_slice %arg8[%dma_wait3A_225] : memref<10x!tpu.dma_semaphore, #tpu.memory_space<semaphore_mem>> -> memref<1x!tpu.dma_semaphore, #tpu.memory_space<semaphore_mem>>
    %dma_wait3A_233 = tpu.memref_squeeze %dma_wait3A_232 : memref<1x!tpu.dma_semaphore, #tpu.memory_space<semaphore_mem>> -> memref<!tpu.dma_semaphore, #tpu.memory_space<semaphore_mem>>
    %dma_wait3A_234 = arith.constant 0 : i32
    %dma_wait3A_235 = tpu.memref_slice %arg4[%mul3A_2, %dma_wait3A_234] : memref<327680x64xf32, #tpu.memory_space<hbm>> -> memref<128x64xf32, #tpu.memory_space<hbm>>
    %dma_wait3A_236 = arith.constant 0 : i32
    %dma_wait3A_237 = arith.constant 0 : i32
    %dma_wait3A_238 = tpu.memref_slice %arg6[%dma_wait3A_224, %dma_wait3A_236, %dma_wait3A_237] : memref<10x128x64xf32, #tpu.memory_space<vmem>> -> memref<1x128x64xf32, #tpu.memory_space<vmem>>
    %dma_wait3A_239 = tpu.memref_squeeze %dma_wait3A_238 : memref<1x128x64xf32, #tpu.memory_space<vmem>> -> memref<128x64xf32, #tpu.memory_space<vmem>>
    tpu.wait_dma2 semaphore(%dma_wait3A_233 : memref<!tpu.dma_semaphore, #tpu.memory_space<semaphore_mem>>) src(%dma_wait3A_239 : memref<128x64xf32, #tpu.memory_space<vmem>>) dst(%dma_wait3A_235 : memref<128x64xf32, #tpu.memory_space<hbm>>)
    %dma_wait3A_240 = arith.constant 9 : i32
    %dma_wait3A_241 = arith.constant 9 : i32
    %dma_wait3A_242 = arith.constant 0 : i32
    %dma_wait3A_243 = arith.constant 0 : i32
    %dma_wait3A_244 = tpu.memref_slice %arg6[%dma_wait3A_240, %dma_wait3A_242, %dma_wait3A_243] : memref<10x128x64xf32, #tpu.memory_space<vmem>> -> memref<1x128x64xf32, #tpu.memory_space<vmem>>
    %dma_wait3A_245 = tpu.memref_squeeze %dma_wait3A_244 : memref<1x128x64xf32, #tpu.memory_space<vmem>> -> memref<128x64xf32, #tpu.memory_space<vmem>>
    %dma_wait3A_246 = arith.constant 0 : i32
    %dma_wait3A_247 = tpu.memref_slice %arg4[%mul3A_2, %dma_wait3A_246] : memref<327680x64xf32, #tpu.memory_space<hbm>> -> memref<128x64xf32, #tpu.memory_space<hbm>>
    %dma_wait3A_248 = tpu.memref_slice %arg8[%dma_wait3A_241] : memref<10x!tpu.dma_semaphore, #tpu.memory_space<semaphore_mem>> -> memref<1x!tpu.dma_semaphore, #tpu.memory_space<semaphore_mem>>
    %dma_wait3A_249 = tpu.memref_squeeze %dma_wait3A_248 : memref<1x!tpu.dma_semaphore, #tpu.memory_space<semaphore_mem>> -> memref<!tpu.dma_semaphore, #tpu.memory_space<semaphore_mem>>
    %dma_wait3A_250 = arith.constant 0 : i32
    %dma_wait3A_251 = tpu.memref_slice %arg4[%mul3A_2, %dma_wait3A_250] : memref<327680x64xf32, #tpu.memory_space<hbm>> -> memref<128x64xf32, #tpu.memory_space<hbm>>
    %dma_wait3A_252 = arith.constant 0 : i32
    %dma_wait3A_253 = arith.constant 0 : i32
    %dma_wait3A_254 = tpu.memref_slice %arg6[%dma_wait3A_240, %dma_wait3A_252, %dma_wait3A_253] : memref<10x128x64xf32, #tpu.memory_space<vmem>> -> memref<1x128x64xf32, #tpu.memory_space<vmem>>
    %dma_wait3A_255 = tpu.memref_squeeze %dma_wait3A_254 : memref<1x128x64xf32, #tpu.memory_space<vmem>> -> memref<128x64xf32, #tpu.memory_space<vmem>>
    tpu.wait_dma2 semaphore(%dma_wait3A_249 : memref<!tpu.dma_semaphore, #tpu.memory_space<semaphore_mem>>) src(%dma_wait3A_255 : memref<128x64xf32, #tpu.memory_space<vmem>>) dst(%dma_wait3A_251 : memref<128x64xf32, #tpu.memory_space<hbm>>)
    return
  }
}

</mosaic_0001>

<sc_bundles>
// kernel: kernel.3.cloned.1.call-start
scs
__scs_entry_jumppad:
0x0: {  	(pc) =	sbr.rel $0x88, $3  }
0x1: {  	(tag) =	ssettag $0x0;
	lr =	simm.s32 $0x1  }
0x2: {  	[smem:$0x3F9F] =	sst lr;
	_ =	strace $0xD0000000  }
0x3: {  	_ = 	snop  }
0x4: {  	_ = 	snop  }
0x5: {  	_ = 	snop  }
0x6: {  	_ = 	snop  }
0x7: {  	_ = 	snop  }
__scs_overlays_trampoline_lowered:
0x8: {  	[smem:$0x3FAE] =	sst s0  }
0x9: {  	[smem:$0x3FAF] =	sst s1  }
0xa: {  	[smem:$0x3FB0] =	sst s2  }
0xb: {  	[smem:$0x3FB1] =	sst s3  }
0xc: {  	[smem:$0x3FB2] =	sst s4  }
0xd: {  	[smem:$0x3FB3] =	sst s5  }
0xe: {  	[smem:$0x3FB4] =	sst s6  }
0xf: {  	[smem:$0x3FB5] =	sst s7  }
0x10: {  	[smem:$0x3FB6] =	sst s8  }
0x11: {  	[smem:$0x3FB7] =	sst s9;
	s0 =	simm.s32 @!p0 $0x0  }
0x12: {  	s1 =	sld [smem:$0x3F9D];
	s0 =	simm.s32 @p0 $0x1  }
0x13: {  	[smem:$0x3FB8] =	sst s0;
	s0 =	simm.s32 @!p1 $0x0  }
0x14: {  	s2 =	sld [smem:$0x3F9C];
	s0 =	simm.s32 @p1 $0x1  }
0x15: {  	[smem:$0x3FB9] =	sst s0;
	s0 =	simm.s32 @!p2 $0x0  }
0x16: {  	s3 =	sld [smem:$0x3FDB];
	s0 =	simm.s32 @p2 $0x1  }
0x17: {  	s4 =	simm.s32 $0x1BF5;
	[smem:$0x3FBB] =	sst s0  }
0x18: {  	s0 =	sld [smem:$0x3F9E];
	_ =	swait.ge [sflag:s4], $0x0  }
0x19: {  	s7 =	sld [smem:$0x3F9F]  }
0x1a: {  	s8 =	sadd.s32 $0xFFFFE003, lr  }
0x1b: {  	s9 =	sadd.s32 $0xFFFFFEF7, lr;
	s5 =	simm.s32 $0xFFFFFFFF;
	p2 =	slt.u32 s8, $0xFFFFF086  }
0x1c: {  	p1 =	slt.u32 s9, $0xF7A;
	s5 =	simm.s32 @!p2 $0x0  }
0x1d: {  	s5 =	simm.s32 @p1 $0x1;
	p0 =	seq.s32 s7, s2  }
0x1e: {  	s7 =	smul.u32 @!p0 $0xF7A, s2;
	p2 =	seq.s32 @!p0 s5, $0x0  }
0x1f: {  	s9 =	smul.u32 $0xF7A, s1;
	s8 =	simm.s32 @!p0 $0x1BF5;
	p2 =	por !p2, p0  }
0x20: {  	[sflag:s8] =	ssyncset.s32 @!p0 $0xFFFFF086;
	s6 =	sadd.s32 @!p0 s3, s7;
	s7 =	simm.s32 @!p0 $0x108  }
0x21: {  	s3 =	sadd.s32 s3, s9;
	s6 =	sadd.s32 @!p0 $0x88, s6;
	s7 =	simm.s32 @p2 $0x1082  }
0x22: {  	[simem:s7], [sflag:s8] =	dma.local @!p0 [hbm:s6], $0xF7A  }
0x23: {  	s9 =	sor.u32 $0xD0000000, s2;
	s6 =	simm.s32 $0x108;
	_ =	swait.ge @!p0 [sflag:s8], $0x0  }
0x24: {  	s3 =	sadd.s32 $0x88, s3;
	s6 =	simm.s32 @!p1 $0x1082;
	[sflag:s4] =	ssyncset.s32 $0xFFFFF086  }
0x25: {  	[simem:s6], [sflag:s4] =	dma.local [hbm:s3], $0xF7A  }
0x26: {  	[smem:$0x3F9F] =	sst s1;
	(tag) =	ssettag s2;
	_ =	strace s9  }
0x27: {  	s1 =	sld [smem:$0x3FAF]  }
0x28: {  	s2 =	sld [smem:$0x3FB0]  }
0x29: {  	s4 =	sld [smem:$0x3FB2]  }
0x2a: {  	p0 =	seq.s32 s5, $0x0;
	s5 =	sld [smem:$0x3FB3]  }
0x2b: {  	s6 =	sld [smem:$0x3FB4]  }
0x2c: {  	s7 =	sld [smem:$0x3FB5]  }
0x2d: {  	s3 =	simm.s32 $0x108;
	s8 =	sld [smem:$0x3FB6]  }
0x2e: {  	s3 =	simm.s32 @!p0 $0x1082;
	s9 =	sld [smem:$0x3FB7]  }
0x2f: {  	lr =	sadd.s32 s0, s3;
	s0 =	sld [smem:$0x3FAE]  }
0x30: {  	s3 =	sld [smem:$0x3FB1]  }
0x31: {  	[smem:$0x3FBA] =	sst s10  }
0x32: {  	s10 =	sld [smem:$0x3FB8];
	_ =	sdelay $0x3  }
0x33: {  	p0 =	seq.s32 s10, $0x1;
	s10 =	sld [smem:$0x3FBA];
	_ =	sdelay $0x3  }
0x34: {  	[smem:$0x3FBA] =	sst s10  }
0x35: {  	s10 =	sld [smem:$0x3FB9];
	_ =	sdelay $0x3  }
0x36: {  	p1 =	seq.s32 s10, $0x1;
	s10 =	sld [smem:$0x3FBA];
	_ =	sdelay $0x3  }
0x37: {  	[smem:$0x3FBA] =	sst s10  }
0x38: {  	s10 =	sld [smem:$0x3FBB]  }
0x39: {  	_ = 	snop;
	(pc) =	sbr.ind lr, $3  }
0x3a: {  	_ = 	snop  }
0x3b: {  	_ = 	snop  }
0x3c: {  	p2 =	seq.s32 s10, $0x1;
	s10 =	sld [smem:$0x3FBA]  }
0x3d: {  	_ =	shalt  }
0x3e: {  	_ =	shalt  }
0x3f: {  	_ =	shalt  }
0x40: {  	_ =	shalt  }
0x41: {  	_ =	shalt  }
0x42: {  	_ =	shalt  }
0x43: {  	_ =	shalt  }
0x44: {  	_ =	shalt  }
0x45: {  	_ =	shalt  }
0x46: {  	_ =	shalt  }
0x47: {  	_ =	shalt  }
0x48: {  	_ =	shalt  }
0x49: {  	_ =	shalt  }
0x4a: {  	_ =	shalt  }
0x4b: {  	_ =	shalt  }
0x4c: {  	_ =	shalt  }
0x4d: {  	_ =	shalt  }
0x4e: {  	_ =	shalt  }
0x4f: {  	_ =	shalt  }
0x50: {  	_ =	shalt  }
0x51: {  	_ =	shalt  }
0x52: {  	_ =	shalt  }
0x53: {  	_ =	shalt  }
0x54: {  	_ =	shalt  }
0x55: {  	_ =	shalt  }
0x56: {  	_ =	shalt  }
0x57: {  	_ =	shalt  }
0x58: {  	_ =	shalt  }
0x59: {  	_ =	shalt  }
0x5a: {  	_ =	shalt  }
0x5b: {  	_ =	shalt  }
0x5c: {  	_ =	shalt  }
0x5d: {  	_ =	shalt  }
0x5e: {  	_ =	shalt  }
0x5f: {  	_ =	shalt  }
0x60: {  	_ =	shalt  }
0x61: {  	_ =	shalt  }
0x62: {  	_ =	shalt  }
0x63: {  	_ =	shalt  }
0x64: {  	_ =	shalt  }
0x65: {  	_ =	shalt  }
0x66: {  	_ =	shalt  }
0x67: {  	_ =	shalt  }
0x68: {  	_ =	shalt  }
0x69: {  	_ =	shalt  }
0x6a: {  	_ =	shalt  }
0x6b: {  	_ =	shalt  }
0x6c: {  	_ =	shalt  }
0x6d: {  	_ =	shalt  }
0x6e: {  	_ =	shalt  }
0x6f: {  	_ =	shalt  }
0x70: {  	_ =	shalt  }
0x71: {  	_ =	shalt  }
0x72: {  	_ =	shalt  }
0x73: {  	_ =	shalt  }
0x74: {  	_ =	shalt  }
0x75: {  	_ =	shalt  }
0x76: {  	_ =	shalt  }
0x77: {  	_ =	shalt  }
0x78: {  	_ =	shalt  }
0x79: {  	_ =	shalt  }
0x7a: {  	_ =	shalt  }
0x7b: {  	_ =	shalt  }
0x7c: {  	_ =	shalt  }
0x7d: {  	_ =	shalt  }
0x7e: {  	_ =	shalt  }
0x7f: {  	_ =	shalt  }
0x80: {  	_ =	shalt  }
0x81: {  	_ =	shalt  }
0x82: {  	_ =	shalt  }
0x83: {  	_ =	shalt  }
0x84: {  	_ =	shalt  }
0x85: {  	_ =	shalt  }
0x86: {  	_ =	shalt  }
0x87: {  	_ =	shalt  }
.Lfunc_end0:
.L_simem_size_0:
called_computation.1_lowered:
.L_overlay_start_0:
0x88: {  	s2 =	sld [smem:$0x3FD9]  }
0x89: {  	s3 =	sld [smem:$0x3FFE];
	_ =	sdelay $0x1  }
0x8a: {  	s1 =	srdreg.scid  }
0x8b: {  	s0 =	sand.u32 $0x1, s1  }
0x8c: {  	s17 =	sshll.u32 s0, $0xA;
	s2 =	sadd.s32 s3, s2  }
0x8d: {  	s2 =	sadd.s32 s2, s17  }
0x8e: {  	[smem:$0x3FC6] =	sst s2  }
0x8f: {  	_ = 	snop  }
0x90: {  	s2 =	sld [smem:$0x3FD0];
	(tm) =	ssettm $0x1  }
0x91: {  	s18 =	sld [smem:$0x3FFB];
	_ =	sdelay $0x3  }
0x92: {  	_ =	strace s18  }
0x93: {  	s3 =	sld [smem:$0x3FFC];
	_ =	sdelay $0x3  }
0x94: {  	_ =	strace s3  }
0x95: {  	s3 =	sld [smem:$0x3FFD];
	_ =	sdelay $0x3  }
0x96: {  	_ =	strace s3  }
0x97: {  	_ =	strace $0x8FFFFFFF  }
0x98: {  	s19 =	sld [smem:$0x3FDB];
	_ =	sdelay $0x1  }
0x99: {  	s4 =	simm.s32 $_scs_section_size  }
0x9a: {  	s5 =	simm.s32 $_size__tile_overlayer_lowered;
	s6 =	simm.s32 $_tile_overlayer_lowered  }
0x9b: {  	s22 =	simm.s32 $0x1BFF;
	s21 =	sshll.u32 s6, $0x1;
	s3 =	sadd.s32 s4, s19  }
0x9c: {  	s7 =	simm.s32 $0x0;
	s20 =	sshll.u32 s5, $0x1;
	s5 =	sadd.s32 s21, s3  }
0x9d: {  	[timem:s7], [sflag:s22] =	dma.local [hbm:s5], s20  }
0x9e: {  	_ =	swait.ge [sflag:s22], s20  }
0x9f: {  	s4 =	ssub.s32 $0x0, s20;
	[sflag:s22] =	ssyncset.done $0x0  }
0xa0: {  	[sflag:s22] =	ssyncadd.s32 s4;
	_ =	sdelay $0x1  }
0xa1: {  	s23 =	simm.s32 $0x1B8B  }
0xa2: {  	_ =	swait.ge [sflag:s23], $0x1  }
0xa3: {  	[sflag:s23] =	ssyncset.done $0x0  }
0xa4: {  	s25 =	simm.s32 $0x1B8E;
	s24 =	sld [smem:$0x3FFE];
	[sflag:s23] =	ssyncadd.s32 $0xFFFFFFFF  }
0xa5: {  	s26 =	simm.s32 $execute0_lowered;
	[smem:$0x3FD2] =	sst s25  }
0xa6: {  	s5 =	sshll.u32 s26, $0x1;
	_ =	strace $0x80000046;
	[dreg:$0x1] =	wrdreg $0xFFFFFFFF  }
0xa7: {  	s28 =	simm.s32 $_size_execute0_lowered;
	s3 =	sadd.s32 s3, s5;
	[dreg:$0x0] =	wrdreg $0x0  }
0xa8: {  	s5 =	sshll.u32 s28, $0x1;
	[dreg:$0x2] =	wrdreg s3  }
0xa9: {  	[dreg:$0x3] =	wrdreg s5  }
0xaa: {  	[dreg:$0x4] =	wrdreg $0xC0  }
0xab: {  	_ =	task [dreg:s7], $0x5FFFF  }
0xac: {  	[dreg:$0x1] =	wrdreg $0xFFFFFFFF  }
0xad: {  	[dreg:$0x0] =	wrdreg $0x60  }
0xae: {  	[dreg:$0x2] =	wrdreg s24  }
0xaf: {  	[dreg:$0x3] =	wrdreg s2  }
0xb0: {  	[dreg:$0x4] =	wrdreg $0x9  }
0xb1: {  	_ =	task.clear_ibuf [dreg:s7], $0x5FFFF;
	_ =	strace $0x90000046  }
0xb2: {  	s29 =	simm.s32 $0x9;
	_ =	strace $0x80000048  }
0xb3: {  	_ =	swait.ge [sflag:s29], $0x1  }
0xb4: {  	[sflag:s29] =	ssyncadd.s32 $0xFFFFFFFF  }
0xb5: {  	_ =	strace $0x90000048  }
0xb6: {  	_ =	sfence  }
0xb7: {  	s30 =	sld [smem:$0x0];
	_ =	sdelay $0x2  }
0xb8: {  	s31 =	sshll.u32 s1, $0xD;
	s1 =	sshrl.u32 s1, $0x2  }
0xb9: {  	s3 =	sand.u32 $0x4000, s31;
	s1 =	sadd.s32 s1, s30  }
0xba: {  	s0 =	sor.u32 s3, s0;
	s1 =	sshll.u32 s1, $0x11  }
0xbb: {  	s0 =	sor.u32 s1, s0  }
0xbc: {  	s0 =	sadd.s32 $0x8F2B, s0  }
0xbd: {  	[sflag:s0] =	ssyncadd.remote.s32 $0x1  }
0xbe: {  	_ =	sfence.sel $0xFFFF  }
0xbf: {  	[dreg:$0x0] =	wrdreg $0xFFFFFFFF;
	(pc) =	sbr.abs _section_cstart, $3  }
0xc0: {  	[dreg:$0x1] =	wrdreg $0xFFFFFFFF  }
0xc1: {  	_ =	task.clear_ibuf [dreg:s7], $0x2FFFF;
	_ =	strace $0x9FFFFFFF  }
0xc2: {  	(tm) =	ssettm $0x7FFFFFFF  }
0xc3: {  	_ =	shalt  }
tec
execute0_lowered:
.L_overlay_start_1:
0x0: {  	(tag) =	ssettag $0x1  }
0x1: {  	s0 =	srdreg.scid;
	s7 =	stileid.u32  }
0x2: {  	s1 =	rddreg [dreg:$0x0];
	s2 =	smul.u32 $0x5000, s7  }
0x3: {  	s0 =	sand.u32 $0x1, s0;
	s5 =	sshll.u32 s7, $0x1;
	s7 =	smul.u32 $0x28000, s7  }
0x4: {  	s3 =	simm.s32 $0x0;
	s28 =	simm.s32 $0x5;
	s4 =	smul.u32 $0x2800, s0  }
0x5: {  	s16 =	sor.u32 s0, s5;
	s20 =	ssub.s32 $0x2, s0;
	s0 =	smul.u32 $0x14000, s0  }
0x6: {  	s29 =	simm.s32 $0x6;
	s30 =	simm.s32 $0x7;
	s2 =	sadd.s32 s4, s2  }
0x7: {  	[smem:$0x7FF] =	sst s3;
	s0 =	sadd.s32 s0, s7;
	s2 =	sshll.u32 s2, $0x3  }
0x8: {  	_ =	strace $0x80000047;
	[dreg:$0xb] =	wrdreg s0;
	s6 =	sor.u32 $0x1400, s2  }
0x9: {  	s31 =	simm.s32 $0x8;
	s17 =	sor.u32 $0x1000, s2;
	[dreg:$0x3] =	wrdreg s6  }
0xa: {  	s5 =	smul.u32 $0x2800, s16;
	s18 =	sor.u32 $0xC00, s2;
	[dreg:$0x4] =	wrdreg s17  }
0xb: {  	s8 =	sshrl.u32 s20, $0x1;
	s19 =	sor.u32 $0x800, s2;
	[dreg:$0x5] =	wrdreg s18  }
0xc: {  	s16 =	simm.s32 $0xA800;
	s21 =	sor.u32 $0x400, s2;
	[dreg:$0x6] =	wrdreg s19  }
0xd: {  	s4 =	sadd.s32 $0xF42E00, s1;
	s22 =	sor.u32 $0x2400, s2;
	[dreg:$0x7] =	wrdreg s21  }
0xe: {  	s5 =	sshrl.u32 s5, $0x3;
	s23 =	sor.u32 $0x2000, s2;
	[dreg:$0x8] =	wrdreg s22  }
0xf: {  	s0 =	simm.s32 $0xA;
	s24 =	sor.u32 $0x1C00, s2;
	[dreg:$0x9] =	wrdreg s23  }
0x10: {  	s1 =	sadd.s32 s5, s1;
	s25 =	sor.u32 $0x1800, s2;
	[dreg:$0xa] =	wrdreg s24  }
0x11: {  	s6 =	ssub.s32 s20, s8;
	s1 =	sadd.s32 $0xA00, s1;
	[dreg:$0xc] =	wrdreg s25  }
0x12: {  	s8 =	simm.s32 $0x80;
	s19 =	simm.s32 $0xE800;
	s20 =	simm.s32 $0x1  }
0x13: {  	s21 =	simm.s32 $0x10800;
	s22 =	simm.s32 $0x2;
	s23 =	simm.s32 $0x12800  }
0x14: {  	s24 =	simm.s32 $0x3;
	s25 =	simm.s32 $0x14800;
	s18 =	simm.s32 $0x4800  }
0x15: {  	[dreg:$0xd] =	wrdreg s1;
	s26 =	smax.u32 s6, $0x1;
	s1 =	simm.s32 $0x9  }
0x16: {  	s6 =	simm.s32 $0x0;
	[dreg:$0xe] =	wrdreg s26;
	s26 =	simm.s32 $0x4  }
.LBB2_1:
0x17: {  	[dreg:$0xf] =	wrdreg s6  }
0x18: {  	s2 =	rddreg [dreg:$0xd];
	s13 =	simm.s32 $0x15  }
0x19: {  	[tilespmem:s3], [sflag:$0x15] =	stream.linear.gather [hbm4b:s2+s3], $0x2800, $0x38;
	[tilespmem:$0x16800] =	vst v63  }
0x1a: {  	_ =	swait.ge [sflag:s13], $0x2800  }
0x1b: {  	[sflag:s13] =	ssyncset.done $0x0  }
0x1c: {  	s6 =	simm.s32 $0x2800;
	[sflag:s13] =	ssyncadd.s32 $0xFFFFD800  }
0x1d: {  	[tilespmem:s6], [sflag:$0x1] =	stream.indirect.gather [hbm4b:s4+s8], $0x40, s3, s8, $0xb8;
	[tilespmem:$0x16800] =	vst v63  }
0x1e: {  	s7 =	simm.s32 $0x4800  }
0x1f: {  	[tilespmem:s7], [sflag:$0x2] =	stream.indirect.gather [hbm4b:s4+s8], $0x40, s8, s8, $0xb8;
	[tilespmem:$0x16800] =	vst v63  }
0x20: {  	s14 =	simm.s32 $0x100;
	s10 =	simm.s32 $0x6800  }
0x21: {  	[tilespmem:s10], [sflag:$0x3] =	stream.indirect.gather [hbm4b:s4+s8], $0x40, s14, s8, $0xb8;
	[tilespmem:$0x16800] =	vst v63  }
0x22: {  	s15 =	simm.s32 $0x180;
	s11 =	simm.s32 $0x8800;
	p0 =	por $0x1, $0x1  }
0x23: {  	[tilespmem:s11], [sflag:$0x4] =	stream.indirect.gather [hbm4b:s4+s8], $0x40, s15, s8, $0xb8;
	[tilespmem:$0x16800] =	vst v63  }
0x24: {  	s17 =	simm.s32 $0x200;
	s12 =	simm.s32 $0xA800;
	p0 =	por p0, p0  }
0x25: {  	[tilespmem:s12], [sflag:$0x5] =	stream.indirect.gather [hbm4b:s4+s8], $0x40, s17, s8, $0xb8;
	[tilespmem:$0x16800] =	vst v63  }
0x26: {  	s5 =	simm.s32 $0x280;
	s2 =	simm.s32 @!p0 $0x11;
	s13 =	simm.s32 $0xC800  }
0x27: {  	[tilespmem:s13], [sflag:$0x6] =	stream.indirect.gather [hbm4b:s4+s8], $0x40, s5, s8, $0xb8;
	[tilespmem:$0x16800] =	vst v63  }
0x28: {  	_ =	swait.ge @!p0 [sflag:s2], $0x2000  }
0x29: {  	[sflag:s2] =	ssyncset.done @!p0 $0x0  }
0x2a: {  	s9 =	simm.s32 $0x300;
	[sflag:s2] =	ssyncadd.s32 @!p0 $0xFFFFE000  }
0x2b: {  	[tilespmem:s19], [sflag:$0x7] =	stream.indirect.gather [hbm4b:s4+s8], $0x40, s9, s8, $0xb8;
	[tilespmem:$0x16800] =	vst v63  }
0x2c: {  	_ =	swait.ge [sflag:s20], $0x2000  }
0x2d: {  	[sflag:s20] =	ssyncset.done $0x0  }
0x2e: {  	s14 =	rddreg [dreg:$0xb];
	[sflag:s20] =	ssyncadd.s32 $0xFFFFE000  }
0x2f: {  	s9 =	rddreg [dreg:$0x1]  }
0x30: {  	s5 =	simm.s32 @!p0 $0x12;
	s2 =	sadd.s32 s9, s14  }
0x31: {  	[hbm4b:s2+s3] =	stream.linear.scatter [tilespmem:s6], [sflag:$0xB], $0x2000, $0x38;
	[tilespmem:$0x16800] =	vst v63  }
0x32: {  	_ =	swait.ge @!p0 [sflag:s5], $0x2000  }
0x33: {  	[sflag:s5] =	ssyncset.done @!p0 $0x0  }
0x34: {  	s15 =	simm.s32 $0x380;
	[sflag:s5] =	ssyncadd.s32 @!p0 $0xFFFFE000  }
0x35: {  	[tilespmem:s21], [sflag:$0x8] =	stream.indirect.gather [hbm4b:s4+s8], $0x40, s15, s8, $0xb8;
	[tilespmem:$0x16800] =	vst v63  }
0x36: {  	_ =	swait.ge [sflag:s22], $0x2000  }
0x37: {  	s17 =	rddreg [dreg:$0x7];
	[sflag:s22] =	ssyncset.done $0x0  }
0x38: {  	s5 =	simm.s32 @!p0 $0x13;
	[sflag:s22] =	ssyncadd.s32 $0xFFFFE000;
	s2 =	sadd.s32 s9, s17  }
0x39: {  	[hbm4b:s2+s3] =	stream.linear.scatter [tilespmem:s7], [sflag:$0xC], $0x2000, $0x38;
	[tilespmem:$0x16800] =	vst v63  }
0x3a: {  	_ =	swait.ge @!p0 [sflag:s5], $0x2000  }
0x3b: {  	[sflag:s5] =	ssyncset.done @!p0 $0x0  }
0x3c: {  	[sflag:s5] =	ssyncadd.s32 @!p0 $0xFFFFE000;
	s5 =	simm.s32 $0x400  }
0x3d: {  	[tilespmem:s23], [sflag:$0x9] =	stream.indirect.gather [hbm4b:s4+s8], $0x40, s5, s8, $0xb8;
	[tilespmem:$0x16800] =	vst v63  }
0x3e: {  	_ =	swait.ge [sflag:s24], $0x2000  }
0x3f: {  	s6 =	rddreg [dreg:$0x6];
	[sflag:s24] =	ssyncset.done $0x0  }
0x40: {  	s5 =	simm.s32 @!p0 $0x14;
	[sflag:s24] =	ssyncadd.s32 $0xFFFFE000;
	s2 =	sadd.s32 s9, s6  }
0x41: {  	[hbm4b:s2+s3] =	stream.linear.scatter [tilespmem:s10], [sflag:$0xD], $0x2000, $0x38;
	[tilespmem:$0x16800] =	vst v63  }
0x42: {  	_ =	swait.ge @!p0 [sflag:s5], $0x2000  }
0x43: {  	[sflag:s5] =	ssyncset.done @!p0 $0x0  }
0x44: {  	s7 =	simm.s32 $0x480;
	[sflag:s5] =	ssyncadd.s32 @!p0 $0xFFFFE000  }
0x45: {  	[tilespmem:s25], [sflag:$0xA] =	stream.indirect.gather [hbm4b:s4+s8], $0x40, s7, s8, $0xb8;
	[tilespmem:$0x16800] =	vst v63  }
0x46: {  	_ =	swait.ge [sflag:s26], $0x2000  }
0x47: {  	p0 =	por $0x0, $0x0;
	s10 =	rddreg [dreg:$0x5];
	[sflag:s26] =	ssyncset.done $0x0  }
0x48: {  	s5 =	simm.s32 @!p0 $0xB;
	[sflag:s26] =	ssyncadd.s32 $0xFFFFE000;
	s2 =	sadd.s32 s9, s10  }
0x49: {  	[hbm4b:s2+s3] =	stream.linear.scatter [tilespmem:s11], [sflag:$0xE], $0x2000, $0x38;
	[tilespmem:$0x16800] =	vst v63  }
0x4a: {  	_ =	swait.ge @!p0 [sflag:s5], $0x2000  }
0x4b: {  	s6 =	simm.s32 @!p0 $0x500;
	[sflag:s5] =	ssyncset.done @!p0 $0x0  }
0x4c: {  	s7 =	simm.s32 @!p0 $0x2800;
	s2 =	simm.s32 @!p0 $0x80;
	[sflag:s5] =	ssyncadd.s32 @!p0 $0xFFFFE000  }
0x4d: {  	[tilespmem:s7], [sflag:$0x1] =	stream.indirect.gather @!p0 [hbm4b:s4+s2], $0x40, s6, s2, $0xb8;
	[tilespmem:$0x16800] =	vst v63  }
0x4e: {  	_ =	swait.ge [sflag:s28], $0x2000  }
0x4f: {  	s11 =	rddreg [dreg:$0x4];
	[sflag:s28] =	ssyncset.done $0x0  }
0x50: {  	s6 =	simm.s32 @!p0 $0xC;
	[sflag:s28] =	ssyncadd.s32 $0xFFFFE000;
	s5 =	sadd.s32 s9, s11  }
0x51: {  	[hbm4b:s5+s3] =	stream.linear.scatter [tilespmem:s12], [sflag:$0xF], $0x2000, $0x38;
	[tilespmem:$0x16800] =	vst v63  }
0x52: {  	_ =	swait.ge @!p0 [sflag:s6], $0x2000  }
0x53: {  	[sflag:s6] =	ssyncset.done @!p0 $0x0  }
0x54: {  	s7 =	simm.s32 @!p0 $0x4800;
	s5 =	simm.s32 @!p0 $0x580;
	[sflag:s6] =	ssyncadd.s32 @!p0 $0xFFFFE000  }
0x55: {  	[tilespmem:s7], [sflag:$0x2] =	stream.indirect.gather @!p0 [hbm4b:s4+s2], $0x40, s5, s2, $0xb8;
	[tilespmem:$0x16800] =	vst v63  }
0x56: {  	_ =	swait.ge [sflag:s29], $0x2000  }
0x57: {  	s12 =	rddreg [dreg:$0x3];
	[sflag:s29] =	ssyncset.done $0x0  }
0x58: {  	s6 =	simm.s32 @!p0 $0xD;
	[sflag:s29] =	ssyncadd.s32 $0xFFFFE000;
	s5 =	sadd.s32 s9, s12  }
0x59: {  	[hbm4b:s5+s3] =	stream.linear.scatter [tilespmem:s13], [sflag:$0x10], $0x2000, $0x38;
	[tilespmem:$0x16800] =	vst v63  }
0x5a: {  	_ =	swait.ge @!p0 [sflag:s6], $0x2000  }
0x5b: {  	[sflag:s6] =	ssyncset.done @!p0 $0x0  }
0x5c: {  	s7 =	simm.s32 @!p0 $0x6800;
	s5 =	simm.s32 @!p0 $0x600;
	[sflag:s6] =	ssyncadd.s32 @!p0 $0xFFFFE000  }
0x5d: {  	[tilespmem:s7], [sflag:$0x3] =	stream.indirect.gather @!p0 [hbm4b:s4+s2], $0x40, s5, s2, $0xb8;
	[tilespmem:$0x16800] =	vst v63  }
0x5e: {  	_ =	swait.ge [sflag:s30], $0x2000  }
0x5f: {  	s14 =	rddreg [dreg:$0xc];
	[sflag:s30] =	ssyncset.done $0x0  }
0x60: {  	s6 =	simm.s32 @!p0 $0xE;
	[sflag:s30] =	ssyncadd.s32 $0xFFFFE000;
	s5 =	sadd.s32 s9, s14  }
0x61: {  	[hbm4b:s5+s3] =	stream.linear.scatter [tilespmem:s19], [sflag:$0x11], $0x2000, $0x38;
	[tilespmem:$0x16800] =	vst v63  }
0x62: {  	_ =	swait.ge @!p0 [sflag:s6], $0x2000  }
0x63: {  	[sflag:s6] =	ssyncset.done @!p0 $0x0  }
0x64: {  	s7 =	simm.s32 @!p0 $0x8800;
	s5 =	simm.s32 @!p0 $0x680;
	[sflag:s6] =	ssyncadd.s32 @!p0 $0xFFFFE000  }
0x65: {  	[tilespmem:s7], [sflag:$0x4] =	stream.indirect.gather @!p0 [hbm4b:s4+s2], $0x40, s5, s2, $0xb8;
	[tilespmem:$0x16800] =	vst v63  }
0x66: {  	_ =	swait.ge [sflag:s31], $0x2000  }
0x67: {  	s15 =	rddreg [dreg:$0xa];
	[sflag:s31] =	ssyncset.done $0x0  }
0x68: {  	s6 =	simm.s32 @!p0 $0xF;
	[sflag:s31] =	ssyncadd.s32 $0xFFFFE000;
	s5 =	sadd.s32 s9, s15  }
0x69: {  	[hbm4b:s5+s3] =	stream.linear.scatter [tilespmem:s21], [sflag:$0x12], $0x2000, $0x38;
	[tilespmem:$0x16800] =	vst v63  }
0x6a: {  	_ =	swait.ge @!p0 [sflag:s6], $0x2000  }
0x6b: {  	[sflag:s6] =	ssyncset.done @!p0 $0x0  }
0x6c: {  	s7 =	simm.s32 @!p0 $0xA800;
	s5 =	simm.s32 @!p0 $0x700;
	[sflag:s6] =	ssyncadd.s32 @!p0 $0xFFFFE000  }
0x6d: {  	[tilespmem:s7], [sflag:$0x5] =	stream.indirect.gather @!p0 [hbm4b:s4+s2], $0x40, s5, s2, $0xb8;
	[tilespmem:$0x16800] =	vst v63  }
0x6e: {  	_ =	swait.ge [sflag:s1], $0x2000  }
0x6f: {  	s17 =	rddreg [dreg:$0x9];
	[sflag:s1] =	ssyncset.done $0x0  }
0x70: {  	s7 =	simm.s32 @!p0 $0x10;
	[sflag:s1] =	ssyncadd.s32 $0xFFFFE000;
	s5 =	sadd.s32 s9, s17  }
0x71: {  	[hbm4b:s5+s3] =	stream.linear.scatter [tilespmem:s23], [sflag:$0x13], $0x2000, $0x38;
	[tilespmem:$0x16800] =	vst v63  }
0x72: {  	_ =	swait.ge @!p0 [sflag:s7], $0x2000  }
0x73: {  	p6 =	por $0x0, $0x0;
	s11 =	simm.s32 @!p0 $0xC800;
	[sflag:s7] =	ssyncset.done @!p0 $0x0  }
0x74: {  	s6 =	simm.s32 $0x1400;
	s5 =	simm.s32 @!p0 $0x780;
	[sflag:s7] =	ssyncadd.s32 @!p0 $0xFFFFE000  }
0x75: {  	[tilespmem:s11], [sflag:$0x6] =	stream.indirect.gather @!p0 [hbm4b:s4+s2], $0x40, s5, s2, $0xb8;
	[tilespmem:$0x16800] =	vst v63  }
0x76: {  	s7 =	simm.s32 $0x2800;
	p0 =	por p6, p6;
	_ =	swait.ge [sflag:s0], $0x2000  }
0x77: {  	s5 =	sadd.s32 $0x2800, s9;
	s2 =	smov.u32 s9;
	[sflag:s0] =	ssyncset.done $0x0  }
0x78: {  	s15 =	simm.s32 @!p0 $0x11;
	s11 =	rddreg [dreg:$0x8];
	[sflag:s0] =	ssyncadd.s32 $0xFFFFE000  }
.LBB2_2:
0x79: {  	s11 =	sadd.s32 s2, s11  }
0x7a: {  	[hbm4b:s11+s3] =	stream.linear.scatter [tilespmem:s25], [sflag:$0x14], $0x2000, $0x38;
	[tilespmem:$0x16800] =	vst v63  }
0x7b: {  	_ =	swait.ge @!p0 [sflag:s15], $0x2000  }
0x7c: {  	s11 =	sshra.s32 s6, $0x2;
	[sflag:s15] =	ssyncset.done @!p0 $0x0  }
0x7d: {  	s12 =	sadd.s32 $0x300, s11;
	[sflag:s15] =	ssyncadd.s32 @!p0 $0xFFFFE000  }
0x7e: {  	[tilespmem:s19], [sflag:$0x7] =	stream.indirect.gather [hbm4b:s4+s8], $0x40, s12, s8, $0xb8;
	[tilespmem:$0x16800] =	vst v63  }
0x7f: {  	_ =	swait.ge [sflag:s20], $0x2000  }
0x80: {  	s17 =	simm.s32 @!p0 $0x12;
	s14 =	rddreg [dreg:$0xb];
	[sflag:s20] =	ssyncset.done $0x0  }
0x81: {  	s9 =	simm.s32 $0x2800;
	[sflag:s20] =	ssyncadd.s32 $0xFFFFE000;
	s15 =	sadd.s32 s5, s14  }
0x82: {  	[hbm4b:s15+s3] =	stream.linear.scatter [tilespmem:s9], [sflag:$0xB], $0x2000, $0x38;
	[tilespmem:$0x16800] =	vst v63  }
0x83: {  	_ =	swait.ge @!p0 [sflag:s17], $0x2000  }
0x84: {  	[sflag:s17] =	ssyncset.done @!p0 $0x0  }
0x85: {  	[sflag:s17] =	ssyncadd.s32 @!p0 $0xFFFFE000;
	s17 =	sadd.s32 $0x380, s11  }
0x86: {  	[tilespmem:s21], [sflag:$0x8] =	stream.indirect.gather [hbm4b:s4+s8], $0x40, s17, s8, $0xb8;
	[tilespmem:$0x16800] =	vst v63  }
0x87: {  	_ =	swait.ge [sflag:s22], $0x2000  }
0x88: {  	s9 =	rddreg [dreg:$0x7];
	[sflag:s22] =	ssyncset.done $0x0  }
0x89: {  	s17 =	simm.s32 @!p0 $0x13;
	[sflag:s22] =	ssyncadd.s32 $0xFFFFE000;
	s15 =	sadd.s32 s5, s9  }
0x8a: {  	[hbm4b:s15+s3] =	stream.linear.scatter [tilespmem:s18], [sflag:$0xC], $0x2000, $0x38;
	[tilespmem:$0x16800] =	vst v63  }
0x8b: {  	_ =	swait.ge @!p0 [sflag:s17], $0x2000  }
0x8c: {  	[sflag:s17] =	ssyncset.done @!p0 $0x0  }
0x8d: {  	s10 =	sadd.s32 $0x400, s11;
	[sflag:s17] =	ssyncadd.s32 @!p0 $0xFFFFE000  }
0x8e: {  	[tilespmem:s23], [sflag:$0x9] =	stream.indirect.gather [hbm4b:s4+s8], $0x40, s10, s8, $0xb8;
	[tilespmem:$0x16800] =	vst v63  }
0x8f: {  	_ =	swait.ge [sflag:s24], $0x2000  }
0x90: {  	s14 =	simm.s32 $0x6800;
	s12 =	rddreg [dreg:$0x6];
	[sflag:s24] =	ssyncset.done $0x0  }
0x91: {  	s17 =	simm.s32 @!p0 $0x14;
	[sflag:s24] =	ssyncadd.s32 $0xFFFFE000;
	s15 =	sadd.s32 s5, s12  }
0x92: {  	[hbm4b:s15+s3] =	stream.linear.scatter [tilespmem:s14], [sflag:$0xD], $0x2000, $0x38;
	[tilespmem:$0x16800] =	vst v63  }
0x93: {  	_ =	swait.ge @!p0 [sflag:s17], $0x2000  }
0x94: {  	[sflag:s17] =	ssyncset.done @!p0 $0x0  }
0x95: {  	s11 =	sadd.s32 $0x480, s11;
	[sflag:s17] =	ssyncadd.s32 @!p0 $0xFFFFE000  }
0x96: {  	[tilespmem:s25], [sflag:$0xA] =	stream.indirect.gather [hbm4b:s4+s8], $0x40, s11, s8, $0xb8;
	[tilespmem:$0x16800] =	vst v63  }
0x97: {  	p2 =	seq.s32 s7, $0x0;
	s10 =	simm.s32 $0x8800;
	_ =	swait.ge [sflag:s26], $0x2000  }
0x98: {  	p0 =	por p2, p2;
	s9 =	rddreg [dreg:$0x5];
	[sflag:s26] =	ssyncset.done $0x0  }
0x99: {  	p2 =	seq.s32 s6, $0x8C00;
	[sflag:s26] =	ssyncadd.s32 $0xFFFFE000;
	s11 =	sadd.s32 s5, s9  }
0x9a: {  	[hbm4b:s11+s3] =	stream.linear.scatter [tilespmem:s10], [sflag:$0xE], $0x2000, $0x38;
	[tilespmem:$0x16800] =	vst v63  }
0x9b: {  	s11 =	simm.s32 @!p2 $0xB  }
0x9c: {  	s13 =	smov.u32 s7;
	s15 =	sshra.s32 @!p2 s6, $0x2;
	_ =	swait.ge @!p2 [sflag:s11], $0x2000  }
0x9d: {  	s6 =	smov.u32 s13;
	s13 =	simm.s32 @!p2 $0x80;
	[sflag:s11] =	ssyncset.done @!p2 $0x0  }
0x9e: {  	s12 =	simm.s32 @!p2 $0x2800;
	s9 =	sadd.s32 @!p2 $0x500, s15;
	[sflag:s11] =	ssyncadd.s32 @!p2 $0xFFFFE000  }
0x9f: {  	[tilespmem:s12], [sflag:$0x1] =	stream.indirect.gather @!p2 [hbm4b:s4+s13], $0x40, s9, s13, $0xb8;
	[tilespmem:$0x16800] =	vst v63  }
0xa0: {  	_ =	swait.ge [sflag:s28], $0x2000  }
0xa1: {  	s12 =	rddreg [dreg:$0x4];
	[sflag:s28] =	ssyncset.done $0x0  }
0xa2: {  	[sflag:s28] =	ssyncadd.s32 $0xFFFFE000;
	s9 =	sadd.s32 s5, s12;
	s12 =	simm.s32 @!p2 $0xC  }
0xa3: {  	[hbm4b:s9+s3] =	stream.linear.scatter [tilespmem:s16], [sflag:$0xF], $0x2000, $0x38;
	[tilespmem:$0x16800] =	vst v63  }
0xa4: {  	_ =	swait.ge @!p2 [sflag:s12], $0x2000  }
0xa5: {  	[sflag:s12] =	ssyncset.done @!p2 $0x0  }
0xa6: {  	s10 =	sadd.s32 @!p2 $0x580, s15;
	s9 =	simm.s32 @!p2 $0x4800;
	[sflag:s12] =	ssyncadd.s32 @!p2 $0xFFFFE000  }
0xa7: {  	[tilespmem:s9], [sflag:$0x2] =	stream.indirect.gather @!p2 [hbm4b:s4+s13], $0x40, s10, s13, $0xb8;
	[tilespmem:$0x16800] =	vst v63  }
0xa8: {  	_ =	swait.ge [sflag:s29], $0x2000  }
0xa9: {  	s12 =	simm.s32 $0xC800;
	s10 =	rddreg [dreg:$0x3];
	[sflag:s29] =	ssyncset.done $0x0  }
0xaa: {  	[sflag:s29] =	ssyncadd.s32 $0xFFFFE000;
	s9 =	sadd.s32 s5, s10;
	s10 =	simm.s32 @!p2 $0xD  }
0xab: {  	[hbm4b:s9+s3] =	stream.linear.scatter [tilespmem:s12], [sflag:$0x10], $0x2000, $0x38;
	[tilespmem:$0x16800] =	vst v63  }
0xac: {  	_ =	swait.ge @!p2 [sflag:s10], $0x2000  }
0xad: {  	[sflag:s10] =	ssyncset.done @!p2 $0x0  }
0xae: {  	s14 =	sadd.s32 @!p2 $0x600, s15;
	s9 =	simm.s32 @!p2 $0x6800;
	[sflag:s10] =	ssyncadd.s32 @!p2 $0xFFFFE000  }
0xaf: {  	[tilespmem:s9], [sflag:$0x3] =	stream.indirect.gather @!p2 [hbm4b:s4+s13], $0x40, s14, s13, $0xb8;
	[tilespmem:$0x16800] =	vst v63  }
0xb0: {  	_ =	swait.ge [sflag:s30], $0x2000  }
0xb1: {  	s12 =	rddreg [dreg:$0xc];
	[sflag:s30] =	ssyncset.done $0x0  }
0xb2: {  	s10 =	simm.s32 @!p2 $0xE;
	[sflag:s30] =	ssyncadd.s32 $0xFFFFE000;
	s9 =	sadd.s32 s5, s12  }
0xb3: {  	[hbm4b:s9+s3] =	stream.linear.scatter [tilespmem:s19], [sflag:$0x11], $0x2000, $0x38;
	[tilespmem:$0x16800] =	vst v63  }
0xb4: {  	_ =	swait.ge @!p2 [sflag:s10], $0x2000  }
0xb5: {  	[sflag:s10] =	ssyncset.done @!p2 $0x0  }
0xb6: {  	s17 =	sadd.s32 @!p2 $0x680, s15;
	s9 =	simm.s32 @!p2 $0x8800;
	[sflag:s10] =	ssyncadd.s32 @!p2 $0xFFFFE000  }
0xb7: {  	[tilespmem:s9], [sflag:$0x4] =	stream.indirect.gather @!p2 [hbm4b:s4+s13], $0x40, s17, s13, $0xb8;
	[tilespmem:$0x16800] =	vst v63  }
0xb8: {  	_ =	swait.ge [sflag:s31], $0x2000  }
0xb9: {  	s14 =	rddreg [dreg:$0xa];
	[sflag:s31] =	ssyncset.done $0x0  }
0xba: {  	s10 =	simm.s32 @!p2 $0xF;
	[sflag:s31] =	ssyncadd.s32 $0xFFFFE000;
	s9 =	sadd.s32 s5, s14  }
0xbb: {  	[hbm4b:s9+s3] =	stream.linear.scatter [tilespmem:s21], [sflag:$0x12], $0x2000, $0x38;
	[tilespmem:$0x16800] =	vst v63  }
0xbc: {  	_ =	swait.ge @!p2 [sflag:s10], $0x2000  }
0xbd: {  	[sflag:s10] =	ssyncset.done @!p2 $0x0  }
0xbe: {  	s11 =	sadd.s32 @!p2 $0x700, s15;
	s9 =	simm.s32 @!p2 $0xA800;
	[sflag:s10] =	ssyncadd.s32 @!p2 $0xFFFFE000  }
0xbf: {  	[tilespmem:s9], [sflag:$0x5] =	stream.indirect.gather @!p2 [hbm4b:s4+s13], $0x40, s11, s13, $0xb8;
	[tilespmem:$0x16800] =	vst v63  }
0xc0: {  	_ =	swait.ge [sflag:s1], $0x2000  }
0xc1: {  	s17 =	rddreg [dreg:$0x9];
	[sflag:s1] =	ssyncset.done $0x0  }
0xc2: {  	s10 =	simm.s32 @!p2 $0x10;
	[sflag:s1] =	ssyncadd.s32 $0xFFFFE000;
	s9 =	sadd.s32 s5, s17  }
0xc3: {  	[hbm4b:s9+s3] =	stream.linear.scatter [tilespmem:s23], [sflag:$0x13], $0x2000, $0x38;
	[tilespmem:$0x16800] =	vst v63  }
0xc4: {  	s7 =	sadd.s32 $0x1400, s7;
	_ =	swait.ge @!p2 [sflag:s10], $0x2000  }
0xc5: {  	p1 =	sne.s32 s7, $0xA000;
	s15 =	sadd.s32 @!p2 $0x780, s15;
	[sflag:s10] =	ssyncset.done @!p2 $0x0  }
.Ltmp0:
0xc6: {  	s9 =	simm.s32 @!p2 $0xC800;
	[sflag:s10] =	ssyncadd.s32 @!p2 $0xFFFFE000;
	(pc) =	sbr.rel @p1 .LBB2_2-.Ltmp0, $4  }
0xc7: {  	[tilespmem:s9], [sflag:$0x6] =	stream.indirect.gather @!p2 [hbm4b:s4+s13], $0x40, s15, s13, $0xb8;
	[tilespmem:$0x16800] =	vst v63  }
0xc8: {  	_ =	swait.ge [sflag:s0], $0x2000  }
0xc9: {  	s2 =	smov.u32 s5;
	s5 =	sadd.s32 $0x2800, s5;
	[sflag:s0] =	ssyncset.done $0x0  }
0xca: {  	s15 =	simm.s32 @!p0 $0x11;
	s11 =	rddreg [dreg:$0x8];
	[sflag:s0] =	ssyncadd.s32 $0xFFFFE000  }
0xcb: {  	s2 =	sadd.s32 s2, s11  }
0xcc: {  	[hbm4b:s2+s3] =	stream.linear.scatter [tilespmem:s25], [sflag:$0x14], $0x2000, $0x38;
	[tilespmem:$0x16800] =	vst v63  }
0xcd: {  	_ =	swait.ge @!p0 [sflag:s15], $0x2000  }
0xce: {  	s14 =	sshra.s32 s6, $0x2;
	[sflag:s15] =	ssyncset.done @!p0 $0x0  }
0xcf: {  	s7 =	sadd.s32 $0x300, s14;
	[sflag:s15] =	ssyncadd.s32 @!p0 $0xFFFFE000  }
0xd0: {  	[tilespmem:s19], [sflag:$0x7] =	stream.indirect.gather [hbm4b:s4+s8], $0x40, s7, s8, $0xb8;
	[tilespmem:$0x16800] =	vst v63  }
0xd1: {  	_ =	swait.ge [sflag:s20], $0x2000  }
0xd2: {  	s9 =	simm.s32 @!p0 $0x12;
	s15 =	rddreg [dreg:$0xb];
	[sflag:s20] =	ssyncset.done $0x0  }
0xd3: {  	s10 =	simm.s32 $0x2800;
	[sflag:s20] =	ssyncadd.s32 $0xFFFFE000;
	s7 =	sadd.s32 s5, s15  }
0xd4: {  	[hbm4b:s7+s3] =	stream.linear.scatter [tilespmem:s10], [sflag:$0xB], $0x2000, $0x38;
	[tilespmem:$0x16800] =	vst v63  }
0xd5: {  	_ =	swait.ge @!p0 [sflag:s9], $0x2000  }
0xd6: {  	[sflag:s9] =	ssyncset.done @!p0 $0x0  }
0xd7: {  	s17 =	sadd.s32 $0x380, s14;
	[sflag:s9] =	ssyncadd.s32 @!p0 $0xFFFFE000  }
0xd8: {  	[tilespmem:s21], [sflag:$0x8] =	stream.indirect.gather [hbm4b:s4+s8], $0x40, s17, s8, $0xb8;
	[tilespmem:$0x16800] =	vst v63  }
0xd9: {  	_ =	swait.ge [sflag:s22], $0x2000  }
0xda: {  	s9 =	rddreg [dreg:$0x7];
	[sflag:s22] =	ssyncset.done $0x0  }
0xdb: {  	[sflag:s22] =	ssyncadd.s32 $0xFFFFE000;
	s7 =	sadd.s32 s5, s9;
	s9 =	simm.s32 @!p0 $0x13  }
0xdc: {  	[hbm4b:s7+s3] =	stream.linear.scatter [tilespmem:s18], [sflag:$0xC], $0x2000, $0x38;
	[tilespmem:$0x16800] =	vst v63  }
0xdd: {  	_ =	swait.ge @!p0 [sflag:s9], $0x2000  }
0xde: {  	[sflag:s9] =	ssyncset.done @!p0 $0x0  }
0xdf: {  	s10 =	sadd.s32 $0x400, s14;
	[sflag:s9] =	ssyncadd.s32 @!p0 $0xFFFFE000  }
0xe0: {  	[tilespmem:s23], [sflag:$0x9] =	stream.indirect.gather [hbm4b:s4+s8], $0x40, s10, s8, $0xb8;
	[tilespmem:$0x16800] =	vst v63  }
0xe1: {  	_ =	swait.ge [sflag:s24], $0x2000  }
0xe2: {  	s12 =	simm.s32 $0x6800;
	s11 =	rddreg [dreg:$0x6];
	[sflag:s24] =	ssyncset.done $0x0  }
0xe3: {  	s9 =	simm.s32 @!p0 $0x14;
	[sflag:s24] =	ssyncadd.s32 $0xFFFFE000;
	s7 =	sadd.s32 s5, s11  }
0xe4: {  	[hbm4b:s7+s3] =	stream.linear.scatter [tilespmem:s12], [sflag:$0xD], $0x2000, $0x38;
	[tilespmem:$0x16800] =	vst v63  }
0xe5: {  	_ =	swait.ge @!p0 [sflag:s9], $0x2000  }
0xe6: {  	[sflag:s9] =	ssyncset.done @!p0 $0x0  }
0xe7: {  	s2 =	sadd.s32 $0x480, s14;
	[sflag:s9] =	ssyncadd.s32 @!p0 $0xFFFFE000  }
0xe8: {  	[tilespmem:s25], [sflag:$0xA] =	stream.indirect.gather [hbm4b:s4+s8], $0x40, s2, s8, $0xb8;
	[tilespmem:$0x16800] =	vst v63  }
0xe9: {  	s14 =	simm.s32 $0x8800;
	_ =	swait.ge [sflag:s26], $0x2000  }
0xea: {  	p0 =	seq.s32 s6, $0x8C00;
	s13 =	rddreg [dreg:$0x5];
	[sflag:s26] =	ssyncset.done $0x0  }
0xeb: {  	s7 =	simm.s32 @!p0 $0xB;
	[sflag:s26] =	ssyncadd.s32 $0xFFFFE000;
	s2 =	sadd.s32 s5, s13  }
0xec: {  	[hbm4b:s2+s3] =	stream.linear.scatter [tilespmem:s14], [sflag:$0xE], $0x2000, $0x38;
	[tilespmem:$0x16800] =	vst v63  }
0xed: {  	_ =	swait.ge @!p0 [sflag:s7], $0x2000  }
0xee: {  	s2 =	sshra.s32 @!p0 s6, $0x2;
	s6 =	simm.s32 @!p0 $0x80;
	[sflag:s7] =	ssyncset.done @!p0 $0x0  }
0xef: {  	s9 =	sadd.s32 @!p0 $0x500, s2;
	[sflag:s7] =	ssyncadd.s32 @!p0 $0xFFFFE000;
	s7 =	simm.s32 @!p0 $0x2800  }
0xf0: {  	[tilespmem:s7], [sflag:$0x1] =	stream.indirect.gather @!p0 [hbm4b:s4+s6], $0x40, s9, s6, $0xb8;
	[tilespmem:$0x16800] =	vst v63  }
0xf1: {  	_ =	swait.ge [sflag:s28], $0x2000  }
0xf2: {  	s17 =	simm.s32 $0xA800;
	s15 =	rddreg [dreg:$0x4];
	[sflag:s28] =	ssyncset.done $0x0  }
0xf3: {  	s9 =	simm.s32 @!p0 $0xC;
	[sflag:s28] =	ssyncadd.s32 $0xFFFFE000;
	s7 =	sadd.s32 s5, s15  }
0xf4: {  	[hbm4b:s7+s3] =	stream.linear.scatter [tilespmem:s17], [sflag:$0xF], $0x2000, $0x38;
	[tilespmem:$0x16800] =	vst v63  }
0xf5: {  	_ =	swait.ge @!p0 [sflag:s9], $0x2000  }
0xf6: {  	[sflag:s9] =	ssyncset.done @!p0 $0x0  }
0xf7: {  	s7 =	sadd.s32 @!p0 $0x580, s2;
	[sflag:s9] =	ssyncadd.s32 @!p0 $0xFFFFE000;
	s9 =	simm.s32 @!p0 $0x4800  }
0xf8: {  	[tilespmem:s9], [sflag:$0x2] =	stream.indirect.gather @!p0 [hbm4b:s4+s6], $0x40, s7, s6, $0xb8;
	[tilespmem:$0x16800] =	vst v63  }
0xf9: {  	_ =	swait.ge [sflag:s29], $0x2000  }
0xfa: {  	s11 =	simm.s32 $0xC800;
	s10 =	rddreg [dreg:$0x3];
	[sflag:s29] =	ssyncset.done $0x0  }
0xfb: {  	s9 =	simm.s32 @!p0 $0xD;
	[sflag:s29] =	ssyncadd.s32 $0xFFFFE000;
	s7 =	sadd.s32 s5, s10  }
0xfc: {  	[hbm4b:s7+s3] =	stream.linear.scatter [tilespmem:s11], [sflag:$0x10], $0x2000, $0x38;
	[tilespmem:$0x16800] =	vst v63  }
0xfd: {  	_ =	swait.ge @!p0 [sflag:s9], $0x2000  }
0xfe: {  	[sflag:s9] =	ssyncset.done @!p0 $0x0  }
0xff: {  	s7 =	sadd.s32 @!p0 $0x600, s2;
	[sflag:s9] =	ssyncadd.s32 @!p0 $0xFFFFE000;
	s9 =	simm.s32 @!p0 $0x6800  }
0x100: {  	[tilespmem:s9], [sflag:$0x3] =	stream.indirect.gather @!p0 [hbm4b:s4+s6], $0x40, s7, s6, $0xb8;
	[tilespmem:$0x16800] =	vst v63  }
0x101: {  	_ =	swait.ge [sflag:s30], $0x2000  }
0x102: {  	s12 =	rddreg [dreg:$0xc];
	[sflag:s30] =	ssyncset.done $0x0  }
0x103: {  	s9 =	simm.s32 @!p0 $0xE;
	[sflag:s30] =	ssyncadd.s32 $0xFFFFE000;
	s7 =	sadd.s32 s5, s12  }
0x104: {  	[hbm4b:s7+s3] =	stream.linear.scatter [tilespmem:s19], [sflag:$0x11], $0x2000, $0x38;
	[tilespmem:$0x16800] =	vst v63  }
0x105: {  	_ =	swait.ge @!p0 [sflag:s9], $0x2000  }
0x106: {  	[sflag:s9] =	ssyncset.done @!p0 $0x0  }
0x107: {  	s7 =	sadd.s32 @!p0 $0x680, s2;
	[sflag:s9] =	ssyncadd.s32 @!p0 $0xFFFFE000;
	s9 =	simm.s32 @!p0 $0x8800  }
0x108: {  	[tilespmem:s9], [sflag:$0x4] =	stream.indirect.gather @!p0 [hbm4b:s4+s6], $0x40, s7, s6, $0xb8;
	[tilespmem:$0x16800] =	vst v63  }
0x109: {  	_ =	swait.ge [sflag:s31], $0x2000  }
0x10a: {  	s13 =	rddreg [dreg:$0xa];
	[sflag:s31] =	ssyncset.done $0x0  }
0x10b: {  	s9 =	simm.s32 @!p0 $0xF;
	[sflag:s31] =	ssyncadd.s32 $0xFFFFE000;
	s7 =	sadd.s32 s5, s13  }
0x10c: {  	[hbm4b:s7+s3] =	stream.linear.scatter [tilespmem:s21], [sflag:$0x12], $0x2000, $0x38;
	[tilespmem:$0x16800] =	vst v63  }
0x10d: {  	_ =	swait.ge @!p0 [sflag:s9], $0x2000  }
0x10e: {  	[sflag:s9] =	ssyncset.done @!p0 $0x0  }
0x10f: {  	s7 =	sadd.s32 @!p0 $0x700, s2;
	[sflag:s9] =	ssyncadd.s32 @!p0 $0xFFFFE000;
	s9 =	simm.s32 @!p0 $0xA800  }
0x110: {  	[tilespmem:s9], [sflag:$0x5] =	stream.indirect.gather @!p0 [hbm4b:s4+s6], $0x40, s7, s6, $0xb8;
	[tilespmem:$0x16800] =	vst v63  }
0x111: {  	_ =	swait.ge [sflag:s1], $0x2000  }
0x112: {  	s14 =	rddreg [dreg:$0x9];
	[sflag:s1] =	ssyncset.done $0x0  }
0x113: {  	[sflag:s1] =	ssyncadd.s32 $0xFFFFE000;
	s7 =	sadd.s32 s5, s14  }
0x114: {  	[hbm4b:s7+s3] =	stream.linear.scatter [tilespmem:s23], [sflag:$0x13], $0x2000, $0x38;
	[tilespmem:$0x16800] =	vst v63  }
0x115: {  	s7 =	simm.s32 @!p0 $0x10  }
0x116: {  	_ =	swait.ge @!p0 [sflag:s7], $0x2000  }
0x117: {  	[sflag:s7] =	ssyncset.done @!p0 $0x0  }
0x118: {  	s2 =	sadd.s32 @!p0 $0x780, s2;
	[sflag:s7] =	ssyncadd.s32 @!p0 $0xFFFFE000;
	s7 =	simm.s32 @!p0 $0xC800  }
0x119: {  	[tilespmem:s7], [sflag:$0x6] =	stream.indirect.gather @!p0 [hbm4b:s4+s6], $0x40, s2, s6, $0xb8;
	[tilespmem:$0x16800] =	vst v63  }
0x11a: {  	_ =	swait.ge [sflag:s0], $0x2000  }
0x11b: {  	s15 =	rddreg [dreg:$0x8];
	[sflag:s0] =	ssyncset.done $0x0  }
0x11c: {  	s17 =	simm.s32 $0xB;
	s2 =	sadd.s32 s5, s15;
	[sflag:s0] =	ssyncadd.s32 $0xFFFFE000  }
0x11d: {  	[hbm4b:s2+s3] =	stream.linear.scatter [tilespmem:s25], [sflag:$0x14], $0x2000, $0x38;
	[tilespmem:$0x16800] =	vst v63  }
0x11e: {  	_ =	swait.ge [sflag:s17], $0x2000  }
0x11f: {  	[sflag:s17] =	ssyncset.done $0x0  }
0x120: {  	s5 =	simm.s32 $0xC;
	[sflag:s17] =	ssyncadd.s32 $0xFFFFE000  }
0x121: {  	_ =	swait.ge [sflag:s5], $0x2000  }
0x122: {  	[sflag:s5] =	ssyncset.done $0x0  }
0x123: {  	s6 =	simm.s32 $0xD;
	[sflag:s5] =	ssyncadd.s32 $0xFFFFE000  }
0x124: {  	_ =	swait.ge [sflag:s6], $0x2000  }
0x125: {  	[sflag:s6] =	ssyncset.done $0x0  }
0x126: {  	s7 =	simm.s32 $0xE;
	[sflag:s6] =	ssyncadd.s32 $0xFFFFE000  }
0x127: {  	_ =	swait.ge [sflag:s7], $0x2000  }
0x128: {  	[sflag:s7] =	ssyncset.done $0x0  }
0x129: {  	s9 =	simm.s32 $0xF;
	[sflag:s7] =	ssyncadd.s32 $0xFFFFE000  }
0x12a: {  	_ =	swait.ge [sflag:s9], $0x2000  }
0x12b: {  	[sflag:s9] =	ssyncset.done $0x0  }
0x12c: {  	s10 =	simm.s32 $0x10;
	[sflag:s9] =	ssyncadd.s32 $0xFFFFE000  }
0x12d: {  	_ =	swait.ge [sflag:s10], $0x2000  }
0x12e: {  	[sflag:s10] =	ssyncset.done $0x0  }
0x12f: {  	s11 =	simm.s32 $0x11;
	[sflag:s10] =	ssyncadd.s32 $0xFFFFE000  }
0x130: {  	_ =	swait.ge [sflag:s11], $0x2000  }
0x131: {  	[sflag:s11] =	ssyncset.done $0x0  }
0x132: {  	s12 =	simm.s32 $0x12;
	[sflag:s11] =	ssyncadd.s32 $0xFFFFE000  }
0x133: {  	_ =	swait.ge [sflag:s12], $0x2000  }
0x134: {  	[sflag:s12] =	ssyncset.done $0x0  }
0x135: {  	s13 =	simm.s32 $0x13;
	[sflag:s12] =	ssyncadd.s32 $0xFFFFE000  }
0x136: {  	_ =	swait.ge [sflag:s13], $0x2000  }
0x137: {  	[sflag:s13] =	ssyncset.done $0x0  }
0x138: {  	s14 =	simm.s32 $0x14;
	[sflag:s13] =	ssyncadd.s32 $0xFFFFE000  }
0x139: {  	_ =	swait.ge [sflag:s14], $0x2000  }
0x13a: {  	s15 =	rddreg [dreg:$0xf]  }
0x13b: {  	s17 =	rddreg [dreg:$0xe];
	s6 =	sadd.s32 $0x1, s15  }
0x13c: {  	p0 =	sne.s32 s6, s17  }
.Ltmp1:
0x13d: {  	_ = 	snop;
	(pc) =	sbr.rel @p0 .LBB2_1-.Ltmp1, $3  }
0x13e: {  	_ =	sdelay $0x1  }
0x13f: {  	[sflag:s14] =	ssyncset.done $0x0  }
0x140: {  	[sflag:s14] =	ssyncadd.s32 $0xFFFFE000  }
0x141: {  	_ =	sfence.sel $0x180000  }
0x142: {  	[bflag:$0x0] =	sbarrier.arrive $0xFFFF  }
0x143: {  	_ =	strace $0x90000047  }
0x144: {  	s0 =	stileid.u32;
	[bflag:$0x2] =	sbarrier.arrive $0xFFFF  }
0x145: {  	p0 =	sne.s32 s0, $0x0;
	s0 =	rddreg [dreg:$0x2]  }
0x146: {  	s0 =	sadd.s32 @!p0 $0x100000, s0  }
0x147: {  	[sflag:s0] =	ssyncadd.tile.s32 @!p0 $0x1;
	_ =	shalt  }
.Lfunc_end2:
_tile_overlayer_lowered:
.L_overlay_start_2:
0x148: {  	(tag) =	ssettag $0x2  }
0x149: {  	s0 =	rddreg [dreg:$0x0];
	s2 =	stileid.u32  }
0x14a: {  	s1 =	rddreg [dreg:$0x1];
	p0 =	sne.s32 s2, $0x0  }
0x14b: {  	s3 =	rddreg [dreg:$0x2];
	[bflag:$0x3] =	sbarrier.arrive $0xFFFF;
	s2 =	simm.s32 @!p0 $0x1C15  }
0x14c: {  	[timem:s3], [sflag:s2] =	dma.local @!p0 [hbm:s0], s1  }
0x14d: {  	s0 =	simm.s32 @!p0 $0x15  }
0x14e: {  	_ =	swait.ge @!p0 [sflag:s0], s1  }
0x14f: {  	s1 =	ssub.s32 @!p0 $0x0, s1;
	[sflag:s0] =	ssyncset.done @!p0 $0x0  }
0x150: {  	[sflag:s0] =	ssyncadd.s32 @!p0 s1  }
0x151: {  	[bflag:$0x3] =	sbarrier.arrive $0xFFFF  }
0x152: {  	_ =	shalt  }

// kernel: sparse-core-data-format-call.cloned.1.call-start
scs
called_computation_lowered:
.L_overlay_start_0:
0x0: {  	s2 =	sld [smem:$0x3FD9]  }
0x1: {  	s3 =	sld [smem:$0x3FFE];
	_ =	sdelay $0x1  }
0x2: {  	s1 =	srdreg.scid  }
0x3: {  	s0 =	sand.u32 $0x1, s1  }
0x4: {  	s18 =	sshll.u32 s0, $0xA;
	s2 =	sadd.s32 s3, s2  }
0x5: {  	s2 =	sadd.s32 s2, s18  }
0x6: {  	[smem:$0x3FC6] =	sst s2  }
0x7: {  	_ = 	snop  }
0x8: {  	s2 =	sld [smem:$0x3FD0];
	(tm) =	ssettm $0x1  }
0x9: {  	s19 =	sld [smem:$0x3FFB];
	_ =	sdelay $0x3  }
0xa: {  	_ =	strace s19  }
0xb: {  	s3 =	sld [smem:$0x3FFC];
	_ =	sdelay $0x3  }
0xc: {  	_ =	strace s3  }
0xd: {  	s3 =	sld [smem:$0x3FFD];
	_ =	sdelay $0x3  }
0xe: {  	_ =	strace s3  }
0xf: {  	_ =	strace $0x8FFFFFFF  }
0x10: {  	s20 =	sld [smem:$0x3FDB];
	_ =	sdelay $0x1  }
0x11: {  	s4 =	simm.s32 $_scs_section_size  }
0x12: {  	s5 =	simm.s32 $_size__tile_overlayer_lowered;
	s6 =	simm.s32 $_tile_overlayer_lowered  }
0x13: {  	s23 =	simm.s32 $0x1BFF;
	s22 =	sshll.u32 s6, $0x1;
	s3 =	sadd.s32 s4, s20  }
0x14: {  	s7 =	simm.s32 $0x0;
	s21 =	sshll.u32 s5, $0x1;
	s5 =	sadd.s32 s22, s3  }
0x15: {  	[timem:s7], [sflag:s23] =	dma.local [hbm:s5], s21  }
0x16: {  	_ =	swait.ge [sflag:s23], s21  }
0x17: {  	s4 =	ssub.s32 $0x0, s21;
	[sflag:s23] =	ssyncset.done $0x0  }
0x18: {  	[sflag:s23] =	ssyncadd.s32 s4;
	_ =	sdelay $0x1  }
0x19: {  	s24 =	simm.s32 $0x1B8B  }
0x1a: {  	_ =	swait.ge [sflag:s24], $0x1  }
0x1b: {  	[sflag:s24] =	ssyncset.done $0x0  }
0x1c: {  	s26 =	simm.s32 $0x1B8E;
	s25 =	sld [smem:$0x3FFE];
	[sflag:s24] =	ssyncadd.s32 $0xFFFFFFFF  }
0x1d: {  	s27 =	simm.s32 $execute0_lowered;
	[smem:$0x3FD2] =	sst s26  }
0x1e: {  	s5 =	sshll.u32 s27, $0x1;
	_ =	strace $0x80000049;
	[dreg:$0x1] =	wrdreg $0xFFFFFFFF  }
0x1f: {  	s28 =	simm.s32 $_size_execute0_lowered;
	s3 =	sadd.s32 s3, s5;
	[dreg:$0x0] =	wrdreg $0x0  }
0x20: {  	s5 =	sshll.u32 s28, $0x1;
	[dreg:$0x2] =	wrdreg s3  }
0x21: {  	[dreg:$0x3] =	wrdreg s5  }
0x22: {  	[dreg:$0x4] =	wrdreg $0xC0  }
0x23: {  	_ =	task [dreg:s7], $0x5FFFF  }
0x24: {  	[dreg:$0x1] =	wrdreg $0xFFFFFFFF  }
0x25: {  	[dreg:$0x0] =	wrdreg $0x60  }
0x26: {  	[dreg:$0x2] =	wrdreg s25  }
0x27: {  	[dreg:$0x3] =	wrdreg s2  }
0x28: {  	[dreg:$0x4] =	wrdreg $0x9  }
0x29: {  	_ =	task.clear_ibuf [dreg:s7], $0x5FFFF;
	_ =	strace $0x90000049  }
0x2a: {  	s29 =	simm.s32 $0x9;
	_ =	strace $0x8000004B  }
0x2b: {  	_ =	swait.ge [sflag:s29], $0x1  }
0x2c: {  	[sflag:s29] =	ssyncadd.s32 $0xFFFFFFFF  }
0x2d: {  	_ =	strace $0x9000004B  }
0x2e: {  	_ =	sfence  }
0x2f: {  	s30 =	sld [smem:$0x0];
	_ =	sdelay $0x2  }
0x30: {  	s31 =	sshll.u32 s1, $0xD;
	s1 =	sshrl.u32 s1, $0x2  }
0x31: {  	s3 =	sand.u32 $0x4000, s31;
	s1 =	sadd.s32 s1, s30  }
0x32: {  	s0 =	sor.u32 s3, s0;
	s1 =	sshll.u32 s1, $0x11  }
0x33: {  	s0 =	sor.u32 s1, s0  }
0x34: {  	s0 =	sadd.s32 $0x8F2B, s0  }
0x35: {  	[sflag:s0] =	ssyncadd.remote.s32 $0x1  }
0x36: {  	_ =	sfence.sel $0xFFFF  }
0x37: {  	[dreg:$0x0] =	wrdreg $0xFFFFFFFF;
	(pc) =	sbr.abs _section_cstart, $3  }
0x38: {  	[dreg:$0x1] =	wrdreg $0xFFFFFFFF  }
0x39: {  	_ =	task.clear_ibuf [dreg:s7], $0x2FFFF;
	_ =	strace $0x9FFFFFFF  }
0x3a: {  	(tm) =	ssettm $0x7FFFFFFF  }
0x3b: {  	_ =	shalt  }
tec
execute0_lowered:
.L_overlay_start_1:
0x0: {  	(tag) =	ssettag $0x1  }
0x1: {  	s0 =	srdreg.scid  }
0x2: {  	s1 =	sshll.u32 s0, $0x4  }
0x3: {  	s0 =	stileid.u32;
	s1 =	sand.u32 $0x10, s1  }
0x4: {  	s1 =	sor.u32 s0, s1  }
0x5: {  	s6 =	rddreg [dreg:$0x0];
	s4 =	simm.s32 $0x1;
	s2 =	sshll.u32 s1, $0x7  }
0x6: {  	s7 =	simm.s32 $0x2;
	s12 =	simm.s32 $0x0;
	s1 =	ssub.s32 $0x4000, s2  }
0x7: {  	s8 =	simm.s32 $0x20000;
	s13 =	simm.s32 $0x0;
	s3 =	sand.u32 $0xF80, s1  }
0x8: {  	s9 =	simm.s32 $0x0;
	s5 =	sshrl.u32 s1, $0xC;
	p0 =	sne.s32 s3, $0x0  }
.Ltmp0:
0x9: {  	s1 =	rddreg [dreg:$0x2];
	s4 =	simm.s32 @!p0 $0x0;
	(pc) =	sbr.rel .LBB1_1-.Ltmp0, $4  }
0xa: {  	s11 =	simm.s32 $0x0;
	s3 =	rddreg [dreg:$0x1];
	s5 =	sadd.s32 s4, s5  }
0xb: {  	_ =	strace $0x8000004A;
	s4 =	simm.s32 $0x1;
	s5 =	smul.u32 $0x14, s5  }
0xc: {  	s6 =	sadd.s32 $0xA00, s6;
	s10 =	smov.u32 s2;
	[sflag:s4] =	ssyncpa.u1 $0x0  }
0xd: {  	p0 =	por $0x0, $0x0;
	[sflag:s7] =	ssyncpa.u1 $0x0;
	s7 =	sor.u32 $0x1, s5  }
.LBB1_4:
0xe: {  	s16 =	sshll.u32 s13, $0x3;
	s17 =	sand.u32 $0x78, s13  }
0xf: {  	s30 =	sand.u32 $0x1F800, s13;
	s12 =	sshll.u32 s12, $0x11;
	s16 =	sand.u32 $0x3C00, s16  }
0x10: {  	[tilespmem:s15+$0x810 ss:$0x81] =	vst.msk $0xffff, v2;
	s31 =	sand.u32 $0x7, s13;
	s16 =	sor.u32 s17, s16;
	s17 =	sadd.s32 s3, s30  }
0x11: {  	[tilespmem:s15+$0x1020 ss:$0x81] =	vst.msk $0xffff, v0;
	s13 =	sshll.u32 s31, $0x12;
	s12 =	sadd.s32 s12, s17;
	s16 =	sshrl.u32 s16, $0x3  }
0x12: {  	[tilespmem:s15+$0x0 ss:$0x81] =	vst.msk $0xffff, v1;
	s13 =	sor.u32 $0x400, s13;
	s12 =	sadd.s32 s16, s12  }
0x13: {  	[hbm4b:s12+s13] =	stream.strided.scatter [tilespmem:s14], [sflag:$0x2], $0x2000, s8, s13, $0x20;
	[tilespmem:$0x8080] =	vst v63  }
.LBB1_5:
0x14: {  	s14 =	sadd.s32 $0x1, s9  }
0x15: {  	s12 =	sadd.s32 $0x1000, s10;
	s16 =	smov.u32 s10;
	p2 =	sgt.s32 s14, $0x13  }
0x16: {  	s16 =	smov.u32 @p2 s12  }
0x17: {  	s14 =	simm.s32 @p2 $0x0;
	p2 =	sgt.s32 s16, $0x3FFF  }
0x18: {  	s16 =	smov.u32 @p2 s2;
	p2 =	sne.s32 s11, s7  }
.Ltmp1:
0x19: {  	p1 =	slt.u32 s11, $0x2;
	(pc) =	sbr.rel @!p2 .LBB1_6-.Ltmp1, $4  }
0x1a: {  	s15 =	simm.s32 @!p1 $0x2  }
0x1b: {  	s13 =	smov.u32 s10;
	p0 =	por !p0, !p0;
	_ =	swait.ge @!p1 [sflag:s15], $0x2000  }
0x1c: {  	s12 =	smov.u32 s9;
	[sflag:s15] =	ssyncset.done @!p1 $0x0;
	s9 =	smov.u32 s14  }
0x1d: {  	s11 =	sadd.s32 $0x1, s11;
	[sflag:s15] =	ssyncadd.s32 @!p1 $0xFFFFE000;
	s10 =	smov.u32 s16  }
.LBB1_1:
0x1e: {  	p1 =	sge.u32 s11, s5  }
0x1f: {  	s14 =	sand.u32 @!p1 $0x1FFFFFF, s9  }
0x20: {  	s15 =	smulhi.u32 @!p1 $0xAAAAAAB, s14;
	_ =	sdelay $0x1  }
0x21: {  	s15 =	smul.u32 @!p1 $0x18, s15  }
0x22: {  	s16 =	sxor.u32 @!p1 $0xFFFFFFFF, s11;
	s17 =	smul.u32 @!p1 $0x180, s10  }
0x23: {  	s31 =	sadd.s32 $0xFFFFFFFF, s11;
	s16 =	sshll.u32 @!p1 s16, $0xD;
	s14 =	ssub.s32 @!p1 s14, s15  }
0x24: {  	s15 =	sand.u32 @!p1 $0x2000, s16;
	s16 =	sadd.s32 @!p1 s6, s17;
	s14 =	sshll.u32 @!p1 s14, $0x4  }
0x25: {  	s17 =	simm.s32 @!p1 $0xC00;
	s14 =	sadd.s32 @!p1 s14, s16;
	s16 =	simm.s32 @!p1 $0x40  }
0x26: {  	[tilespmem:s15], [sflag:$0x1] =	stream.strided.gather @!p1 [hbm4b:s14+s16], $0x2000, s17, s16, $0x38;
	[tilespmem:$0x8080] =	vst v63  }
0x27: {  	p1 =	sge.u32 s31, s5  }
.Ltmp2:
0x28: {  	_ = 	snop;
	(pc) =	sbr.rel @p1 .LBB1_5-.Ltmp2, $1  }
0x29: {  	_ =	sdelay $0x3  }
0x2a: {  	s14 =	simm.s32 $0x1  }
0x2b: {  	_ =	swait.ge [sflag:s4], $0x2000;
	s14 =	simm.s32 @!p0 $0x0  }
0x2c: {  	[sflag:s4] =	ssyncset.done $0x0;
	s15 =	sshll.u32 s14, $0xD  }
0x2d: {  	[sflag:s4] =	ssyncadd.s32 $0xFFFFE000;
	s18 =	sor.u32 $0x20, s15  }
0x2e: {  	s14 =	smul.u32 $0x8100, s14;
	v3 =	vld [tilespmem:s18+$0x10]  }
0x2f: {  	s30 =	sand.u32 $0x1, s11;
	v2 =	vld [tilespmem:s18+$0xFFFFFFF0]  }
0x30: {  	s15 =	smul.u32 $0x8100, s30;
	s14 =	sshrl.u32 s14, $0x2;
	v0 =	vld [tilespmem:s18+$0x0]  }
0x31: {  	v1 =	vld [tilespmem:s18+$0xFFFFFFE0];
	s16 =	sor.u32 $0x4000, s14  }
0x32: {  	s31 =	sshrl.u32 s15, $0x2;
	s15 =	sadd.s32 $0x0, s16  }
0x33: {  	s17 =	simm.s32 $0x4;
	s18 =	sadd.s32 $0x40, s18;
	s14 =	sor.u32 $0x4000, s31;
	[tilespmem:s15+$0x1830 ss:$0x81] =	vst.msk $0xffff, v3  }
.LBB1_3:
0x34: {  	v3 =	vld [tilespmem:s18+$0x10];
	p1 =	sne.s32 s17, $0x1FC;
	[tilespmem:s15+$0x810 ss:$0x81] =	vst.msk $0xffff, v2;
	s19 =	smov.u32 s17;
	s17 =	sadd.s32 $0x4, s17  }
.Ltmp3:
0x35: {  	v2 =	vld [tilespmem:s18+$0xFFFFFFF0];
	[tilespmem:s15+$0x1020 ss:$0x81] =	vst.msk $0xffff, v0;
	(pc) =	sbr.rel @p1 .LBB1_3-.Ltmp3, $4  }
0x36: {  	v0 =	vld [tilespmem:s18+$0x0];
	[tilespmem:s15+$0x0 ss:$0x81] =	vst.msk $0xffff, v1  }
0x37: {  	s15 =	sshra.s32 s19, $0x2;
	v1 =	vld [tilespmem:s18+$0xFFFFFFE0]  }
0x38: {  	s15 =	sadd.s32 s15, s16  }
0x39: {  	s18 =	sadd.s32 $0x40, s18;
	[tilespmem:s15+$0x1830 ss:$0x81] =	vst.msk $0xffff, v3  }
.Ltmp4:
0x3a: {  	_ = 	snop;
	(pc) =	sbr.rel .LBB1_4-.Ltmp4, $1  }
0x3b: {  	_ =	sdelay $0x3  }
.LBB1_6:
0x3c: {  	_ =	sfence.sel $0x180000  }
0x3d: {  	s2 =	simm.s32 $0x1;
	[bflag:$0x0] =	sbarrier.arrive $0xFFFF  }
0x3e: {  	s31 =	simm.s32 $0x2;
	[sflag:s2] =	ssyncpa.u1 $0x1  }
0x3f: {  	[sflag:s31] =	ssyncpa.u1 $0x1  }
0x40: {  	p0 =	sne.s32 s0, $0x0;
	_ =	strace $0x9000004A  }
0x41: {  	s0 =	sadd.s32 @!p0 $0x100000, s1;
	[bflag:$0x2] =	sbarrier.arrive $0xFFFF  }
0x42: {  	[sflag:s0] =	ssyncadd.tile.s32 @!p0 $0x1;
	_ =	shalt  }
.Lfunc_end1:
_tile_overlayer_lowered:
.L_overlay_start_2:
0x43: {  	(tag) =	ssettag $0x2  }
0x44: {  	s0 =	rddreg [dreg:$0x0];
	s2 =	stileid.u32  }
0x45: {  	s1 =	rddreg [dreg:$0x1];
	p0 =	sne.s32 s2, $0x0  }
0x46: {  	s3 =	rddreg [dreg:$0x2];
	[bflag:$0x3] =	sbarrier.arrive $0xFFFF;
	s2 =	simm.s32 @!p0 $0x1C01  }
0x47: {  	[timem:s3], [sflag:s2] =	dma.local @!p0 [hbm:s0], s1  }
0x48: {  	s0 =	simm.s32 @!p0 $0x1  }
0x49: {  	_ =	swait.ge @!p0 [sflag:s0], s1  }
0x4a: {  	s1 =	ssub.s32 @!p0 $0x0, s1;
	[sflag:s0] =	ssyncset.done @!p0 $0x0  }
0x4b: {  	[sflag:s0] =	ssyncadd.s32 @!p0 s1  }
0x4c: {  	[bflag:$0x3] =	sbarrier.arrive $0xFFFF  }
0x4d: {  	_ =	shalt  }

</sc_bundles>
